<compile_context>
chip_gen: v7x
topology: tpu7x:2x2x1
jax: 0.10.2.dev20260603
libtpu: 0.0.44.dev20260713+nightly
codegen_flags: <defaults>
</compile_context>

<pallas_src>
import functools

import jax
import jax.numpy as jnp
from jax import lax
from jax.experimental import pallas as pl
from jax.experimental.pallas import tpu as pltpu
from jax.experimental.pallas import tpu_sc as plsc

_LANES = 16


def _coeff_body(n_idx, n_pad_cols, alpha_hbm, beta_hbm, idx_hbm,
                a_hbm, b_hbm, a_v, b_v, idx_v, s_v):
    c = lax.axis_index("c")
    s = lax.axis_index("s")

    @pl.when(jnp.logical_and(c == 0, s == 0))
    def _():
        pltpu.sync_copy(alpha_hbm, s_v.at[pl.ds(0, _LANES)])
        pltpu.sync_copy(beta_hbm, s_v.at[pl.ds(_LANES, _LANES)])
        pltpu.sync_copy(idx_hbm, idx_v)
        ones = jnp.ones((_LANES,), jnp.float32)
        for i in range(n_pad_cols // _LANES):
            a_v[pl.ds(i * _LANES, _LANES)] = ones
            b_v[pl.ds(i * _LANES, _LANES)] = ones
        av = s_v[pl.ds(0, _LANES)]
        bv = s_v[pl.ds(_LANES, _LANES)]
        lane = lax.iota(jnp.int32, _LANES)
        for k in range(idx_v.shape[0] // _LANES):
            idxv = idx_v[pl.ds(k * _LANES, _LANES)]
            mask = (lane + (k * _LANES)) < n_idx
            plsc.store_scatter(a_v, [idxv], av, mask=mask)
            plsc.store_scatter(b_v, [idxv], bv, mask=mask)
        pltpu.sync_copy(a_v, a_hbm)
        pltpu.sync_copy(b_v, b_hbm)


def _affine_body(x_ref, a_ref, b_ref, o_ref):
    o_ref[...] = x_ref[...] * a_ref[...] + b_ref[...]


@functools.partial(jax.jit, static_argnames=("row_block",))
def _bias_layer(x, alpha, beta, clss, row_block=512):
    n_rows, n_cols = x.shape
    n_idx = clss.shape[0]
    n_pad_cols = (n_cols + 127) // 128 * 128
    n_pad_idx = (n_idx + _LANES - 1) // _LANES * _LANES

    alpha16 = jnp.broadcast_to(alpha.astype(jnp.float32), (_LANES,))
    beta16 = jnp.broadcast_to(beta.astype(jnp.float32), (_LANES,))
    idx_pad = jnp.pad(clss.astype(jnp.int32), (0, n_pad_idx - n_idx))

    mesh = plsc.VectorSubcoreMesh(core_axis_name="c", subcore_axis_name="s")
    a_pad, b_pad = pl.kernel(
        functools.partial(_coeff_body, n_idx, n_pad_cols),
        out_type=(jax.ShapeDtypeStruct((n_pad_cols,), jnp.float32),
                  jax.ShapeDtypeStruct((n_pad_cols,), jnp.float32)),
        scratch_types=[
            pltpu.VMEM((n_pad_cols,), jnp.float32),
            pltpu.VMEM((n_pad_cols,), jnp.float32),
            pltpu.VMEM((n_pad_idx,), jnp.int32),
            pltpu.VMEM((2 * _LANES,), jnp.float32),
        ],
        mesh=mesh,
        compiler_params=pltpu.CompilerParams(needs_layout_passes=False),
        name="sc_coeff_scatter",
    )(alpha16, beta16, idx_pad)

    a_row = a_pad[:n_cols].reshape(1, n_cols)
    b_row = b_pad[:n_cols].reshape(1, n_cols)

    grid = (n_rows // row_block,)
    return pl.pallas_call(
        _affine_body,
        grid=grid,
        in_specs=[
            pl.BlockSpec((row_block, n_cols), lambda i: (i, 0)),
            pl.BlockSpec((1, n_cols), lambda i: (0, 0)),
            pl.BlockSpec((1, n_cols), lambda i: (0, 0)),
        ],
        out_specs=pl.BlockSpec((row_block, n_cols), lambda i: (i, 0)),
        out_shape=jax.ShapeDtypeStruct((n_rows, n_cols), x.dtype),
        compiler_params=pltpu.CompilerParams(
            dimension_semantics=("arbitrary",),
        ),
        name="tc_affine",
    )(x, a_row, b_row)


def kernel(x, alpha, beta, clss):
    return _bias_layer(x, alpha, beta, clss)

# --- scband reference (transcript-rebuilt; emitter-appended) ---
"""Pipeline reference for scband-bias-layer-2181843387085 (READ-ONLY COPY).

The authoritative reference and input builder live on the scoring server;
editing this copy changes nothing except your own understanding.
"""

import jax, jax.numpy as jnp
import numpy as np


def setup_inputs(seed: int = 0) -> dict:
    key = jax.random.key(seed)
    x = jax.random.normal(key, (4096, 1000), dtype=jnp.float32)
    # learned parameters per __init__: alpha=ones(1), beta=zeros(1)
    alpha = jnp.ones((1,), dtype=jnp.float32)
    beta = jnp.zeros((1,), dtype=jnp.float32)
    # clss buffer: the new-task class columns (last 50 of 1000)
    clss = jnp.arange(950, 1000, dtype=jnp.int32)
    return {"x": x, "alpha": alpha, "beta": beta, "clss": clss}


def reference(x, alpha, beta, clss):
    # alpha_mat = ones_like(x); alpha_mat[:, clss] = alpha
    a = jnp.ones_like(x).at[:, clss].set(alpha)
    # NOTE: faithful to torch code: beta matrix is initialized with ONES
    # (torch.ones_like), then clss columns overwritten with self.beta.
    b = jnp.ones_like(x).at[:, clss].set(beta)
    return a * x + b

if __name__ == "__main__":
    import jax
    _d = setup_inputs()
    print(jax.jit(kernel)(*tuple(_d.values())))

</pallas_src>

<mosaic_0001>
#map = affine_map<(d0, d1) -> (0)>
module attributes {stable_mosaic.version = 14 : i64} {
  func.func @sc_coeff_scatter(%arg0: i32, %arg1: i32, %arg2: memref<16xf32, #tpu.memory_space<hbm>>, %arg3: memref<16xf32, #tpu.memory_space<hbm>>, %arg4: memref<64xi32, #tpu.memory_space<hbm>>, %arg5: memref<1024xf32, #tpu.memory_space<hbm>>, %arg6: memref<1024xf32, #tpu.memory_space<hbm>>, %arg7: memref<1024xf32, #tpu.memory_space<vmem>>, %arg8: memref<1024xf32, #tpu.memory_space<vmem>>, %arg9: memref<64xi32, #tpu.memory_space<vmem>>, %arg10: memref<32xf32, #tpu.memory_space<vmem>>) attributes {dimension_semantics = [#tpu.dimension_semantics<core_parallel>, #tpu.dimension_semantics<subcore_parallel>], iteration_bounds = array<i64: 2, 16>, scalar_prefetch = 0 : i64, scratch_operands = 4 : i64, tpu.core_type = #tpu.core_type<sc_vector_subcore>, window_params = [{transform_indices = #map}, {transform_indices = #map}, {transform_indices = #map}, {transform_indices = #map}, {transform_indices = #map}]} {
    %eq3A = arith.constant 0 : i32
    %eq3A_0 = arith.cmpi eq, %arg0, %eq3A : i32
    %eq3A_1 = arith.constant 0 : i32
    %eq3A_2 = arith.cmpi eq, %arg1, %eq3A_1 : i32
    %and3A = arith.andi %eq3A_0, %eq3A_2 : i1
    %convert_element_type3A = arith.extui %and3A : i1 to i32
    %cond3A = arith.constant 0 : i32
    %cond3A_3 = arith.cmpi ne, %convert_element_type3A, %cond3A : i32
    scf.if %cond3A_3 {
      "tpu.region"() ({
        %run_scoped3A = tpu.sem_alloc : memref<!tpu.dma_semaphore, #tpu.memory_space<semaphore_mem>>
        %dma_start3A = arith.constant 0 : i32
        %dma_start3A_293 = tpu.memref_slice %arg10[%dma_start3A] : memref<32xf32, #tpu.memory_space<vmem>> -> memref<16xf32, #tpu.memory_space<vmem>>
        %dma_start3A_294 = arith.constant 0 : i32
        %dma_start3A_295 = tpu.memref_slice %arg10[%dma_start3A_294] : memref<32xf32, #tpu.memory_space<vmem>> -> memref<16xf32, #tpu.memory_space<vmem>>
        tpu.enqueue_dma source(%arg2 : memref<16xf32, #tpu.memory_space<hbm>>) target(%dma_start3A_295 : memref<16xf32, #tpu.memory_space<vmem>>) target_semaphore(%run_scoped3A : memref<!tpu.dma_semaphore, #tpu.memory_space<semaphore_mem>>)
        %dma_wait3A = arith.constant 0 : i32
        %dma_wait3A_296 = tpu.memref_slice %arg10[%dma_wait3A] : memref<32xf32, #tpu.memory_space<vmem>> -> memref<16xf32, #tpu.memory_space<vmem>>
        %dma_wait3A_297 = arith.constant 0 : i32
        %dma_wait3A_298 = tpu.memref_slice %arg10[%dma_wait3A_297] : memref<32xf32, #tpu.memory_space<vmem>> -> memref<16xf32, #tpu.memory_space<vmem>>
        tpu.wait_dma2 semaphore(%run_scoped3A : memref<!tpu.dma_semaphore, #tpu.memory_space<semaphore_mem>>) src(%arg2 : memref<16xf32, #tpu.memory_space<hbm>>) dst(%dma_wait3A_298 : memref<16xf32, #tpu.memory_space<vmem>>)
        tpu.yield
      }) : () -> ()
      "tpu.region"() ({
        %run_scoped3A = tpu.sem_alloc : memref<!tpu.dma_semaphore, #tpu.memory_space<semaphore_mem>>
        %dma_start3A = arith.constant 16 : i32
        %dma_start3A_293 = tpu.memref_slice %arg10[%dma_start3A] : memref<32xf32, #tpu.memory_space<vmem>> -> memref<16xf32, #tpu.memory_space<vmem>>
        %dma_start3A_294 = arith.constant 16 : i32
        %dma_start3A_295 = tpu.memref_slice %arg10[%dma_start3A_294] : memref<32xf32, #tpu.memory_space<vmem>> -> memref<16xf32, #tpu.memory_space<vmem>>
        tpu.enqueue_dma source(%arg3 : memref<16xf32, #tpu.memory_space<hbm>>) target(%dma_start3A_295 : memref<16xf32, #tpu.memory_space<vmem>>) target_semaphore(%run_scoped3A : memref<!tpu.dma_semaphore, #tpu.memory_space<semaphore_mem>>)
        %dma_wait3A = arith.constant 16 : i32
        %dma_wait3A_296 = tpu.memref_slice %arg10[%dma_wait3A] : memref<32xf32, #tpu.memory_space<vmem>> -> memref<16xf32, #tpu.memory_space<vmem>>
        %dma_wait3A_297 = arith.constant 16 : i32
        %dma_wait3A_298 = tpu.memref_slice %arg10[%dma_wait3A_297] : memref<32xf32, #tpu.memory_space<vmem>> -> memref<16xf32, #tpu.memory_space<vmem>>
        tpu.wait_dma2 semaphore(%run_scoped3A : memref<!tpu.dma_semaphore, #tpu.memory_space<semaphore_mem>>) src(%arg3 : memref<16xf32, #tpu.memory_space<hbm>>) dst(%dma_wait3A_298 : memref<16xf32, #tpu.memory_space<vmem>>)
        tpu.yield
      }) : () -> ()
      "tpu.region"() ({
        %run_scoped3A = tpu.sem_alloc : memref<!tpu.dma_semaphore, #tpu.memory_space<semaphore_mem>>
        tpu.enqueue_dma source(%arg4 : memref<64xi32, #tpu.memory_space<hbm>>) target(%arg9 : memref<64xi32, #tpu.memory_space<vmem>>) target_semaphore(%run_scoped3A : memref<!tpu.dma_semaphore, #tpu.memory_space<semaphore_mem>>)
        tpu.wait_dma2 semaphore(%run_scoped3A : memref<!tpu.dma_semaphore, #tpu.memory_space<semaphore_mem>>) src(%arg4 : memref<64xi32, #tpu.memory_space<hbm>>) dst(%arg9 : memref<64xi32, #tpu.memory_space<vmem>>)
        tpu.yield
      }) : () -> ()
      %broadcast_in_dim3A = arith.constant 1.000000e+00 : f32
      %broadcast_in_dim3A_4 = vector.broadcast %broadcast_in_dim3A : f32 to vector<16xf32>
      %swap3A = arith.constant 0 : index
      %swap3A_5 = tpu.vector_load %arg7[%swap3A] {strides = array<i32>} : memref<1024xf32, #tpu.memory_space<vmem>>, vector<16xf32>,
      tpu.vector_store %arg7[%swap3A], %broadcast_in_dim3A_4 {strides = array<i32>} : memref<1024xf32, #tpu.memory_space<vmem>>, vector<16xf32>,
      %swap3A_6 = arith.constant 0 : index
      %swap3A_7 = tpu.vector_load %arg8[%swap3A_6] {strides = array<i32>} : memref<1024xf32, #tpu.memory_space<vmem>>, vector<16xf32>,
      tpu.vector_store %arg8[%swap3A_6], %broadcast_in_dim3A_4 {strides = array<i32>} : memref<1024xf32, #tpu.memory_space<vmem>>, vector<16xf32>,
      %swap3A_8 = arith.constant 16 : index
      %swap3A_9 = tpu.vector_load %arg7[%swap3A_8] {strides = array<i32>} : memref<1024xf32, #tpu.memory_space<vmem>>, vector<16xf32>,
      tpu.vector_store %arg7[%swap3A_8], %broadcast_in_dim3A_4 {strides = array<i32>} : memref<1024xf32, #tpu.memory_space<vmem>>, vector<16xf32>,
      %swap3A_10 = arith.constant 16 : index
      %swap3A_11 = tpu.vector_load %arg8[%swap3A_10] {strides = array<i32>} : memref<1024xf32, #tpu.memory_space<vmem>>, vector<16xf32>,
      tpu.vector_store %arg8[%swap3A_10], %broadcast_in_dim3A_4 {strides = array<i32>} : memref<1024xf32, #tpu.memory_space<vmem>>, vector<16xf32>,
      %swap3A_12 = arith.constant 32 : index
      %swap3A_13 = tpu.vector_load %arg7[%swap3A_12] {strides = array<i32>} : memref<1024xf32, #tpu.memory_space<vmem>>, vector<16xf32>,
      tpu.vector_store %arg7[%swap3A_12], %broadcast_in_dim3A_4 {strides = array<i32>} : memref<1024xf32, #tpu.memory_space<vmem>>, vector<16xf32>,
      %swap3A_14 = arith.constant 32 : index
      %swap3A_15 = tpu.vector_load %arg8[%swap3A_14] {strides = array<i32>} : memref<1024xf32, #tpu.memory_space<vmem>>, vector<16xf32>,
      tpu.vector_store %arg8[%swap3A_14], %broadcast_in_dim3A_4 {strides = array<i32>} : memref<1024xf32, #tpu.memory_space<vmem>>, vector<16xf32>,
      %swap3A_16 = arith.constant 48 : index
      %swap3A_17 = tpu.vector_load %arg7[%swap3A_16] {strides = array<i32>} : memref<1024xf32, #tpu.memory_space<vmem>>, vector<16xf32>,
      tpu.vector_store %arg7[%swap3A_16], %broadcast_in_dim3A_4 {strides = array<i32>} : memref<1024xf32, #tpu.memory_space<vmem>>, vector<16xf32>,
      %swap3A_18 = arith.constant 48 : index
      %swap3A_19 = tpu.vector_load %arg8[%swap3A_18] {strides = array<i32>} : memref<1024xf32, #tpu.memory_space<vmem>>, vector<16xf32>,
      tpu.vector_store %arg8[%swap3A_18], %broadcast_in_dim3A_4 {strides = array<i32>} : memref<1024xf32, #tpu.memory_space<vmem>>, vector<16xf32>,
      %swap3A_20 = arith.constant 64 : index
      %swap3A_21 = tpu.vector_load %arg7[%swap3A_20] {strides = array<i32>} : memref<1024xf32, #tpu.memory_space<vmem>>, vector<16xf32>,
      tpu.vector_store %arg7[%swap3A_20], %broadcast_in_dim3A_4 {strides = array<i32>} : memref<1024xf32, #tpu.memory_space<vmem>>, vector<16xf32>,
      %swap3A_22 = arith.constant 64 : index
      %swap3A_23 = tpu.vector_load %arg8[%swap3A_22] {strides = array<i32>} : memref<1024xf32, #tpu.memory_space<vmem>>, vector<16xf32>,
      tpu.vector_store %arg8[%swap3A_22], %broadcast_in_dim3A_4 {strides = array<i32>} : memref<1024xf32, #tpu.memory_space<vmem>>, vector<16xf32>,
      %swap3A_24 = arith.constant 80 : index
      %swap3A_25 = tpu.vector_load %arg7[%swap3A_24] {strides = array<i32>} : memref<1024xf32, #tpu.memory_space<vmem>>, vector<16xf32>,
      tpu.vector_store %arg7[%swap3A_24], %broadcast_in_dim3A_4 {strides = array<i32>} : memref<1024xf32, #tpu.memory_space<vmem>>, vector<16xf32>,
      %swap3A_26 = arith.constant 80 : index
      %swap3A_27 = tpu.vector_load %arg8[%swap3A_26] {strides = array<i32>} : memref<1024xf32, #tpu.memory_space<vmem>>, vector<16xf32>,
      tpu.vector_store %arg8[%swap3A_26], %broadcast_in_dim3A_4 {strides = array<i32>} : memref<1024xf32, #tpu.memory_space<vmem>>, vector<16xf32>,
      %swap3A_28 = arith.constant 96 : index
      %swap3A_29 = tpu.vector_load %arg7[%swap3A_28] {strides = array<i32>} : memref<1024xf32, #tpu.memory_space<vmem>>, vector<16xf32>,
      tpu.vector_store %arg7[%swap3A_28], %broadcast_in_dim3A_4 {strides = array<i32>} : memref<1024xf32, #tpu.memory_space<vmem>>, vector<16xf32>,
      %swap3A_30 = arith.constant 96 : index
      %swap3A_31 = tpu.vector_load %arg8[%swap3A_30] {strides = array<i32>} : memref<1024xf32, #tpu.memory_space<vmem>>, vector<16xf32>,
      tpu.vector_store %arg8[%swap3A_30], %broadcast_in_dim3A_4 {strides = array<i32>} : memref<1024xf32, #tpu.memory_space<vmem>>, vector<16xf32>,
      %swap3A_32 = arith.constant 112 : index
      %swap3A_33 = tpu.vector_load %arg7[%swap3A_32] {strides = array<i32>} : memref<1024xf32, #tpu.memory_space<vmem>>, vector<16xf32>,
      tpu.vector_store %arg7[%swap3A_32], %broadcast_in_dim3A_4 {strides = array<i32>} : memref<1024xf32, #tpu.memory_space<vmem>>, vector<16xf32>,
      %swap3A_34 = arith.constant 112 : index
      %swap3A_35 = tpu.vector_load %arg8[%swap3A_34] {strides = array<i32>} : memref<1024xf32, #tpu.memory_space<vmem>>, vector<16xf32>,
      tpu.vector_store %arg8[%swap3A_34], %broadcast_in_dim3A_4 {strides = array<i32>} : memref<1024xf32, #tpu.memory_space<vmem>>, vector<16xf32>,
      %swap3A_36 = arith.constant 128 : index
      %swap3A_37 = tpu.vector_load %arg7[%swap3A_36] {strides = array<i32>} : memref<1024xf32, #tpu.memory_space<vmem>>, vector<16xf32>,
      tpu.vector_store %arg7[%swap3A_36], %broadcast_in_dim3A_4 {strides = array<i32>} : memref<1024xf32, #tpu.memory_space<vmem>>, vector<16xf32>,
      %swap3A_38 = arith.constant 128 : index
      %swap3A_39 = tpu.vector_load %arg8[%swap3A_38] {strides = array<i32>} : memref<1024xf32, #tpu.memory_space<vmem>>, vector<16xf32>,
      tpu.vector_store %arg8[%swap3A_38], %broadcast_in_dim3A_4 {strides = array<i32>} : memref<1024xf32, #tpu.memory_space<vmem>>, vector<16xf32>,
      %swap3A_40 = arith.constant 144 : index
      %swap3A_41 = tpu.vector_load %arg7[%swap3A_40] {strides = array<i32>} : memref<1024xf32, #tpu.memory_space<vmem>>, vector<16xf32>,
      tpu.vector_store %arg7[%swap3A_40], %broadcast_in_dim3A_4 {strides = array<i32>} : memref<1024xf32, #tpu.memory_space<vmem>>, vector<16xf32>,
      %swap3A_42 = arith.constant 144 : index
      %swap3A_43 = tpu.vector_load %arg8[%swap3A_42] {strides = array<i32>} : memref<1024xf32, #tpu.memory_space<vmem>>, vector<16xf32>,
      tpu.vector_store %arg8[%swap3A_42], %broadcast_in_dim3A_4 {strides = array<i32>} : memref<1024xf32, #tpu.memory_space<vmem>>, vector<16xf32>,
      %swap3A_44 = arith.constant 160 : index
      %swap3A_45 = tpu.vector_load %arg7[%swap3A_44] {strides = array<i32>} : memref<1024xf32, #tpu.memory_space<vmem>>, vector<16xf32>,
      tpu.vector_store %arg7[%swap3A_44], %broadcast_in_dim3A_4 {strides = array<i32>} : memref<1024xf32, #tpu.memory_space<vmem>>, vector<16xf32>,
      %swap3A_46 = arith.constant 160 : index
      %swap3A_47 = tpu.vector_load %arg8[%swap3A_46] {strides = array<i32>} : memref<1024xf32, #tpu.memory_space<vmem>>, vector<16xf32>,
      tpu.vector_store %arg8[%swap3A_46], %broadcast_in_dim3A_4 {strides = array<i32>} : memref<1024xf32, #tpu.memory_space<vmem>>, vector<16xf32>,
      %swap3A_48 = arith.constant 176 : index
      %swap3A_49 = tpu.vector_load %arg7[%swap3A_48] {strides = array<i32>} : memref<1024xf32, #tpu.memory_space<vmem>>, vector<16xf32>,
      tpu.vector_store %arg7[%swap3A_48], %broadcast_in_dim3A_4 {strides = array<i32>} : memref<1024xf32, #tpu.memory_space<vmem>>, vector<16xf32>,
      %swap3A_50 = arith.constant 176 : index
      %swap3A_51 = tpu.vector_load %arg8[%swap3A_50] {strides = array<i32>} : memref<1024xf32, #tpu.memory_space<vmem>>, vector<16xf32>,
      tpu.vector_store %arg8[%swap3A_50], %broadcast_in_dim3A_4 {strides = array<i32>} : memref<1024xf32, #tpu.memory_space<vmem>>, vector<16xf32>,
      %swap3A_52 = arith.constant 192 : index
      %swap3A_53 = tpu.vector_load %arg7[%swap3A_52] {strides = array<i32>} : memref<1024xf32, #tpu.memory_space<vmem>>, vector<16xf32>,
      tpu.vector_store %arg7[%swap3A_52], %broadcast_in_dim3A_4 {strides = array<i32>} : memref<1024xf32, #tpu.memory_space<vmem>>, vector<16xf32>,
      %swap3A_54 = arith.constant 192 : index
      %swap3A_55 = tpu.vector_load %arg8[%swap3A_54] {strides = array<i32>} : memref<1024xf32, #tpu.memory_space<vmem>>, vector<16xf32>,
      tpu.vector_store %arg8[%swap3A_54], %broadcast_in_dim3A_4 {strides = array<i32>} : memref<1024xf32, #tpu.memory_space<vmem>>, vector<16xf32>,
      %swap3A_56 = arith.constant 208 : index
      %swap3A_57 = tpu.vector_load %arg7[%swap3A_56] {strides = array<i32>} : memref<1024xf32, #tpu.memory_space<vmem>>, vector<16xf32>,
      tpu.vector_store %arg7[%swap3A_56], %broadcast_in_dim3A_4 {strides = array<i32>} : memref<1024xf32, #tpu.memory_space<vmem>>, vector<16xf32>,
      %swap3A_58 = arith.constant 208 : index
      %swap3A_59 = tpu.vector_load %arg8[%swap3A_58] {strides = array<i32>} : memref<1024xf32, #tpu.memory_space<vmem>>, vector<16xf32>,
      tpu.vector_store %arg8[%swap3A_58], %broadcast_in_dim3A_4 {strides = array<i32>} : memref<1024xf32, #tpu.memory_space<vmem>>, vector<16xf32>,
      %swap3A_60 = arith.constant 224 : index
      %swap3A_61 = tpu.vector_load %arg7[%swap3A_60] {strides = array<i32>} : memref<1024xf32, #tpu.memory_space<vmem>>, vector<16xf32>,
      tpu.vector_store %arg7[%swap3A_60], %broadcast_in_dim3A_4 {strides = array<i32>} : memref<1024xf32, #tpu.memory_space<vmem>>, vector<16xf32>,
      %swap3A_62 = arith.constant 224 : index
      %swap3A_63 = tpu.vector_load %arg8[%swap3A_62] {strides = array<i32>} : memref<1024xf32, #tpu.memory_space<vmem>>, vector<16xf32>,
      tpu.vector_store %arg8[%swap3A_62], %broadcast_in_dim3A_4 {strides = array<i32>} : memref<1024xf32, #tpu.memory_space<vmem>>, vector<16xf32>,
      %swap3A_64 = arith.constant 240 : index
      %swap3A_65 = tpu.vector_load %arg7[%swap3A_64] {strides = array<i32>} : memref<1024xf32, #tpu.memory_space<vmem>>, vector<16xf32>,
      tpu.vector_store %arg7[%swap3A_64], %broadcast_in_dim3A_4 {strides = array<i32>} : memref<1024xf32, #tpu.memory_space<vmem>>, vector<16xf32>,
      %swap3A_66 = arith.constant 240 : index
      %swap3A_67 = tpu.vector_load %arg8[%swap3A_66] {strides = array<i32>} : memref<1024xf32, #tpu.memory_space<vmem>>, vector<16xf32>,
      tpu.vector_store %arg8[%swap3A_66], %broadcast_in_dim3A_4 {strides = array<i32>} : memref<1024xf32, #tpu.memory_space<vmem>>, vector<16xf32>,
      %swap3A_68 = arith.constant 256 : index
      %swap3A_69 = tpu.vector_load %arg7[%swap3A_68] {strides = array<i32>} : memref<1024xf32, #tpu.memory_space<vmem>>, vector<16xf32>,
      tpu.vector_store %arg7[%swap3A_68], %broadcast_in_dim3A_4 {strides = array<i32>} : memref<1024xf32, #tpu.memory_space<vmem>>, vector<16xf32>,
      %swap3A_70 = arith.constant 256 : index
      %swap3A_71 = tpu.vector_load %arg8[%swap3A_70] {strides = array<i32>} : memref<1024xf32, #tpu.memory_space<vmem>>, vector<16xf32>,
      tpu.vector_store %arg8[%swap3A_70], %broadcast_in_dim3A_4 {strides = array<i32>} : memref<1024xf32, #tpu.memory_space<vmem>>, vector<16xf32>,
      %swap3A_72 = arith.constant 272 : index
      %swap3A_73 = tpu.vector_load %arg7[%swap3A_72] {strides = array<i32>} : memref<1024xf32, #tpu.memory_space<vmem>>, vector<16xf32>,
      tpu.vector_store %arg7[%swap3A_72], %broadcast_in_dim3A_4 {strides = array<i32>} : memref<1024xf32, #tpu.memory_space<vmem>>, vector<16xf32>,
      %swap3A_74 = arith.constant 272 : index
      %swap3A_75 = tpu.vector_load %arg8[%swap3A_74] {strides = array<i32>} : memref<1024xf32, #tpu.memory_space<vmem>>, vector<16xf32>,
      tpu.vector_store %arg8[%swap3A_74], %broadcast_in_dim3A_4 {strides = array<i32>} : memref<1024xf32, #tpu.memory_space<vmem>>, vector<16xf32>,
      %swap3A_76 = arith.constant 288 : index
      %swap3A_77 = tpu.vector_load %arg7[%swap3A_76] {strides = array<i32>} : memref<1024xf32, #tpu.memory_space<vmem>>, vector<16xf32>,
      tpu.vector_store %arg7[%swap3A_76], %broadcast_in_dim3A_4 {strides = array<i32>} : memref<1024xf32, #tpu.memory_space<vmem>>, vector<16xf32>,
      %swap3A_78 = arith.constant 288 : index
      %swap3A_79 = tpu.vector_load %arg8[%swap3A_78] {strides = array<i32>} : memref<1024xf32, #tpu.memory_space<vmem>>, vector<16xf32>,
      tpu.vector_store %arg8[%swap3A_78], %broadcast_in_dim3A_4 {strides = array<i32>} : memref<1024xf32, #tpu.memory_space<vmem>>, vector<16xf32>,
      %swap3A_80 = arith.constant 304 : index
      %swap3A_81 = tpu.vector_load %arg7[%swap3A_80] {strides = array<i32>} : memref<1024xf32, #tpu.memory_space<vmem>>, vector<16xf32>,
      tpu.vector_store %arg7[%swap3A_80], %broadcast_in_dim3A_4 {strides = array<i32>} : memref<1024xf32, #tpu.memory_space<vmem>>, vector<16xf32>,
      %swap3A_82 = arith.constant 304 : index
      %swap3A_83 = tpu.vector_load %arg8[%swap3A_82] {strides = array<i32>} : memref<1024xf32, #tpu.memory_space<vmem>>, vector<16xf32>,
      tpu.vector_store %arg8[%swap3A_82], %broadcast_in_dim3A_4 {strides = array<i32>} : memref<1024xf32, #tpu.memory_space<vmem>>, vector<16xf32>,
      %swap3A_84 = arith.constant 320 : index
      %swap3A_85 = tpu.vector_load %arg7[%swap3A_84] {strides = array<i32>} : memref<1024xf32, #tpu.memory_space<vmem>>, vector<16xf32>,
      tpu.vector_store %arg7[%swap3A_84], %broadcast_in_dim3A_4 {strides = array<i32>} : memref<1024xf32, #tpu.memory_space<vmem>>, vector<16xf32>,
      %swap3A_86 = arith.constant 320 : index
      %swap3A_87 = tpu.vector_load %arg8[%swap3A_86] {strides = array<i32>} : memref<1024xf32, #tpu.memory_space<vmem>>, vector<16xf32>,
      tpu.vector_store %arg8[%swap3A_86], %broadcast_in_dim3A_4 {strides = array<i32>} : memref<1024xf32, #tpu.memory_space<vmem>>, vector<16xf32>,
      %swap3A_88 = arith.constant 336 : index
      %swap3A_89 = tpu.vector_load %arg7[%swap3A_88] {strides = array<i32>} : memref<1024xf32, #tpu.memory_space<vmem>>, vector<16xf32>,
      tpu.vector_store %arg7[%swap3A_88], %broadcast_in_dim3A_4 {strides = array<i32>} : memref<1024xf32, #tpu.memory_space<vmem>>, vector<16xf32>,
      %swap3A_90 = arith.constant 336 : index
      %swap3A_91 = tpu.vector_load %arg8[%swap3A_90] {strides = array<i32>} : memref<1024xf32, #tpu.memory_space<vmem>>, vector<16xf32>,
      tpu.vector_store %arg8[%swap3A_90], %broadcast_in_dim3A_4 {strides = array<i32>} : memref<1024xf32, #tpu.memory_space<vmem>>, vector<16xf32>,
      %swap3A_92 = arith.constant 352 : index
      %swap3A_93 = tpu.vector_load %arg7[%swap3A_92] {strides = array<i32>} : memref<1024xf32, #tpu.memory_space<vmem>>, vector<16xf32>,
      tpu.vector_store %arg7[%swap3A_92], %broadcast_in_dim3A_4 {strides = array<i32>} : memref<1024xf32, #tpu.memory_space<vmem>>, vector<16xf32>,
      %swap3A_94 = arith.constant 352 : index
      %swap3A_95 = tpu.vector_load %arg8[%swap3A_94] {strides = array<i32>} : memref<1024xf32, #tpu.memory_space<vmem>>, vector<16xf32>,
      tpu.vector_store %arg8[%swap3A_94], %broadcast_in_dim3A_4 {strides = array<i32>} : memref<1024xf32, #tpu.memory_space<vmem>>, vector<16xf32>,
      %swap3A_96 = arith.constant 368 : index
      %swap3A_97 = tpu.vector_load %arg7[%swap3A_96] {strides = array<i32>} : memref<1024xf32, #tpu.memory_space<vmem>>, vector<16xf32>,
      tpu.vector_store %arg7[%swap3A_96], %broadcast_in_dim3A_4 {strides = array<i32>} : memref<1024xf32, #tpu.memory_space<vmem>>, vector<16xf32>,
      %swap3A_98 = arith.constant 368 : index
      %swap3A_99 = tpu.vector_load %arg8[%swap3A_98] {strides = array<i32>} : memref<1024xf32, #tpu.memory_space<vmem>>, vector<16xf32>,
      tpu.vector_store %arg8[%swap3A_98], %broadcast_in_dim3A_4 {strides = array<i32>} : memref<1024xf32, #tpu.memory_space<vmem>>, vector<16xf32>,
      %swap3A_100 = arith.constant 384 : index
      %swap3A_101 = tpu.vector_load %arg7[%swap3A_100] {strides = array<i32>} : memref<1024xf32, #tpu.memory_space<vmem>>, vector<16xf32>,
      tpu.vector_store %arg7[%swap3A_100], %broadcast_in_dim3A_4 {strides = array<i32>} : memref<1024xf32, #tpu.memory_space<vmem>>, vector<16xf32>,
      %swap3A_102 = arith.constant 384 : index
      %swap3A_103 = tpu.vector_load %arg8[%swap3A_102] {strides = array<i32>} : memref<1024xf32, #tpu.memory_space<vmem>>, vector<16xf32>,
      tpu.vector_store %arg8[%swap3A_102], %broadcast_in_dim3A_4 {strides = array<i32>} : memref<1024xf32, #tpu.memory_space<vmem>>, vector<16xf32>,
      %swap3A_104 = arith.constant 400 : index
      %swap3A_105 = tpu.vector_load %arg7[%swap3A_104] {strides = array<i32>} : memref<1024xf32, #tpu.memory_space<vmem>>, vector<16xf32>,
      tpu.vector_store %arg7[%swap3A_104], %broadcast_in_dim3A_4 {strides = array<i32>} : memref<1024xf32, #tpu.memory_space<vmem>>, vector<16xf32>,
      %swap3A_106 = arith.constant 400 : index
      %swap3A_107 = tpu.vector_load %arg8[%swap3A_106] {strides = array<i32>} : memref<1024xf32, #tpu.memory_space<vmem>>, vector<16xf32>,
      tpu.vector_store %arg8[%swap3A_106], %broadcast_in_dim3A_4 {strides = array<i32>} : memref<1024xf32, #tpu.memory_space<vmem>>, vector<16xf32>,
      %swap3A_108 = arith.constant 416 : index
      %swap3A_109 = tpu.vector_load %arg7[%swap3A_108] {strides = array<i32>} : memref<1024xf32, #tpu.memory_space<vmem>>, vector<16xf32>,
      tpu.vector_store %arg7[%swap3A_108], %broadcast_in_dim3A_4 {strides = array<i32>} : memref<1024xf32, #tpu.memory_space<vmem>>, vector<16xf32>,
      %swap3A_110 = arith.constant 416 : index
      %swap3A_111 = tpu.vector_load %arg8[%swap3A_110] {strides = array<i32>} : memref<1024xf32, #tpu.memory_space<vmem>>, vector<16xf32>,
      tpu.vector_store %arg8[%swap3A_110], %broadcast_in_dim3A_4 {strides = array<i32>} : memref<1024xf32, #tpu.memory_space<vmem>>, vector<16xf32>,
      %swap3A_112 = arith.constant 432 : index
      %swap3A_113 = tpu.vector_load %arg7[%swap3A_112] {strides = array<i32>} : memref<1024xf32, #tpu.memory_space<vmem>>, vector<16xf32>,
      tpu.vector_store %arg7[%swap3A_112], %broadcast_in_dim3A_4 {strides = array<i32>} : memref<1024xf32, #tpu.memory_space<vmem>>, vector<16xf32>,
      %swap3A_114 = arith.constant 432 : index
      %swap3A_115 = tpu.vector_load %arg8[%swap3A_114] {strides = array<i32>} : memref<1024xf32, #tpu.memory_space<vmem>>, vector<16xf32>,
      tpu.vector_store %arg8[%swap3A_114], %broadcast_in_dim3A_4 {strides = array<i32>} : memref<1024xf32, #tpu.memory_space<vmem>>, vector<16xf32>,
      %swap3A_116 = arith.constant 448 : index
      %swap3A_117 = tpu.vector_load %arg7[%swap3A_116] {strides = array<i32>} : memref<1024xf32, #tpu.memory_space<vmem>>, vector<16xf32>,
      tpu.vector_store %arg7[%swap3A_116], %broadcast_in_dim3A_4 {strides = array<i32>} : memref<1024xf32, #tpu.memory_space<vmem>>, vector<16xf32>,
      %swap3A_118 = arith.constant 448 : index
      %swap3A_119 = tpu.vector_load %arg8[%swap3A_118] {strides = array<i32>} : memref<1024xf32, #tpu.memory_space<vmem>>, vector<16xf32>,
      tpu.vector_store %arg8[%swap3A_118], %broadcast_in_dim3A_4 {strides = array<i32>} : memref<1024xf32, #tpu.memory_space<vmem>>, vector<16xf32>,
      %swap3A_120 = arith.constant 464 : index
      %swap3A_121 = tpu.vector_load %arg7[%swap3A_120] {strides = array<i32>} : memref<1024xf32, #tpu.memory_space<vmem>>, vector<16xf32>,
      tpu.vector_store %arg7[%swap3A_120], %broadcast_in_dim3A_4 {strides = array<i32>} : memref<1024xf32, #tpu.memory_space<vmem>>, vector<16xf32>,
      %swap3A_122 = arith.constant 464 : index
      %swap3A_123 = tpu.vector_load %arg8[%swap3A_122] {strides = array<i32>} : memref<1024xf32, #tpu.memory_space<vmem>>, vector<16xf32>,
      tpu.vector_store %arg8[%swap3A_122], %broadcast_in_dim3A_4 {strides = array<i32>} : memref<1024xf32, #tpu.memory_space<vmem>>, vector<16xf32>,
      %swap3A_124 = arith.constant 480 : index
      %swap3A_125 = tpu.vector_load %arg7[%swap3A_124] {strides = array<i32>} : memref<1024xf32, #tpu.memory_space<vmem>>, vector<16xf32>,
      tpu.vector_store %arg7[%swap3A_124], %broadcast_in_dim3A_4 {strides = array<i32>} : memref<1024xf32, #tpu.memory_space<vmem>>, vector<16xf32>,
      %swap3A_126 = arith.constant 480 : index
      %swap3A_127 = tpu.vector_load %arg8[%swap3A_126] {strides = array<i32>} : memref<1024xf32, #tpu.memory_space<vmem>>, vector<16xf32>,
      tpu.vector_store %arg8[%swap3A_126], %broadcast_in_dim3A_4 {strides = array<i32>} : memref<1024xf32, #tpu.memory_space<vmem>>, vector<16xf32>,
      %swap3A_128 = arith.constant 496 : index
      %swap3A_129 = tpu.vector_load %arg7[%swap3A_128] {strides = array<i32>} : memref<1024xf32, #tpu.memory_space<vmem>>, vector<16xf32>,
      tpu.vector_store %arg7[%swap3A_128], %broadcast_in_dim3A_4 {strides = array<i32>} : memref<1024xf32, #tpu.memory_space<vmem>>, vector<16xf32>,
      %swap3A_130 = arith.constant 496 : index
      %swap3A_131 = tpu.vector_load %arg8[%swap3A_130] {strides = array<i32>} : memref<1024xf32, #tpu.memory_space<vmem>>, vector<16xf32>,
      tpu.vector_store %arg8[%swap3A_130], %broadcast_in_dim3A_4 {strides = array<i32>} : memref<1024xf32, #tpu.memory_space<vmem>>, vector<16xf32>,
      %swap3A_132 = arith.constant 512 : index
      %swap3A_133 = tpu.vector_load %arg7[%swap3A_132] {strides = array<i32>} : memref<1024xf32, #tpu.memory_space<vmem>>, vector<16xf32>,
      tpu.vector_store %arg7[%swap3A_132], %broadcast_in_dim3A_4 {strides = array<i32>} : memref<1024xf32, #tpu.memory_space<vmem>>, vector<16xf32>,
      %swap3A_134 = arith.constant 512 : index
      %swap3A_135 = tpu.vector_load %arg8[%swap3A_134] {strides = array<i32>} : memref<1024xf32, #tpu.memory_space<vmem>>, vector<16xf32>,
      tpu.vector_store %arg8[%swap3A_134], %broadcast_in_dim3A_4 {strides = array<i32>} : memref<1024xf32, #tpu.memory_space<vmem>>, vector<16xf32>,
      %swap3A_136 = arith.constant 528 : index
      %swap3A_137 = tpu.vector_load %arg7[%swap3A_136] {strides = array<i32>} : memref<1024xf32, #tpu.memory_space<vmem>>, vector<16xf32>,
      tpu.vector_store %arg7[%swap3A_136], %broadcast_in_dim3A_4 {strides = array<i32>} : memref<1024xf32, #tpu.memory_space<vmem>>, vector<16xf32>,
      %swap3A_138 = arith.constant 528 : index
      %swap3A_139 = tpu.vector_load %arg8[%swap3A_138] {strides = array<i32>} : memref<1024xf32, #tpu.memory_space<vmem>>, vector<16xf32>,
      tpu.vector_store %arg8[%swap3A_138], %broadcast_in_dim3A_4 {strides = array<i32>} : memref<1024xf32, #tpu.memory_space<vmem>>, vector<16xf32>,
      %swap3A_140 = arith.constant 544 : index
      %swap3A_141 = tpu.vector_load %arg7[%swap3A_140] {strides = array<i32>} : memref<1024xf32, #tpu.memory_space<vmem>>, vector<16xf32>,
      tpu.vector_store %arg7[%swap3A_140], %broadcast_in_dim3A_4 {strides = array<i32>} : memref<1024xf32, #tpu.memory_space<vmem>>, vector<16xf32>,
      %swap3A_142 = arith.constant 544 : index
      %swap3A_143 = tpu.vector_load %arg8[%swap3A_142] {strides = array<i32>} : memref<1024xf32, #tpu.memory_space<vmem>>, vector<16xf32>,
      tpu.vector_store %arg8[%swap3A_142], %broadcast_in_dim3A_4 {strides = array<i32>} : memref<1024xf32, #tpu.memory_space<vmem>>, vector<16xf32>,
      %swap3A_144 = arith.constant 560 : index
      %swap3A_145 = tpu.vector_load %arg7[%swap3A_144] {strides = array<i32>} : memref<1024xf32, #tpu.memory_space<vmem>>, vector<16xf32>,
      tpu.vector_store %arg7[%swap3A_144], %broadcast_in_dim3A_4 {strides = array<i32>} : memref<1024xf32, #tpu.memory_space<vmem>>, vector<16xf32>,
      %swap3A_146 = arith.constant 560 : index
      %swap3A_147 = tpu.vector_load %arg8[%swap3A_146] {strides = array<i32>} : memref<1024xf32, #tpu.memory_space<vmem>>, vector<16xf32>,
      tpu.vector_store %arg8[%swap3A_146], %broadcast_in_dim3A_4 {strides = array<i32>} : memref<1024xf32, #tpu.memory_space<vmem>>, vector<16xf32>,
      %swap3A_148 = arith.constant 576 : index
      %swap3A_149 = tpu.vector_load %arg7[%swap3A_148] {strides = array<i32>} : memref<1024xf32, #tpu.memory_space<vmem>>, vector<16xf32>,
      tpu.vector_store %arg7[%swap3A_148], %broadcast_in_dim3A_4 {strides = array<i32>} : memref<1024xf32, #tpu.memory_space<vmem>>, vector<16xf32>,
      %swap3A_150 = arith.constant 576 : index
      %swap3A_151 = tpu.vector_load %arg8[%swap3A_150] {strides = array<i32>} : memref<1024xf32, #tpu.memory_space<vmem>>, vector<16xf32>,
      tpu.vector_store %arg8[%swap3A_150], %broadcast_in_dim3A_4 {strides = array<i32>} : memref<1024xf32, #tpu.memory_space<vmem>>, vector<16xf32>,
      %swap3A_152 = arith.constant 592 : index
      %swap3A_153 = tpu.vector_load %arg7[%swap3A_152] {strides = array<i32>} : memref<1024xf32, #tpu.memory_space<vmem>>, vector<16xf32>,
      tpu.vector_store %arg7[%swap3A_152], %broadcast_in_dim3A_4 {strides = array<i32>} : memref<1024xf32, #tpu.memory_space<vmem>>, vector<16xf32>,
      %swap3A_154 = arith.constant 592 : index
      %swap3A_155 = tpu.vector_load %arg8[%swap3A_154] {strides = array<i32>} : memref<1024xf32, #tpu.memory_space<vmem>>, vector<16xf32>,
      tpu.vector_store %arg8[%swap3A_154], %broadcast_in_dim3A_4 {strides = array<i32>} : memref<1024xf32, #tpu.memory_space<vmem>>, vector<16xf32>,
      %swap3A_156 = arith.constant 608 : index
      %swap3A_157 = tpu.vector_load %arg7[%swap3A_156] {strides = array<i32>} : memref<1024xf32, #tpu.memory_space<vmem>>, vector<16xf32>,
      tpu.vector_store %arg7[%swap3A_156], %broadcast_in_dim3A_4 {strides = array<i32>} : memref<1024xf32, #tpu.memory_space<vmem>>, vector<16xf32>,
      %swap3A_158 = arith.constant 608 : index
      %swap3A_159 = tpu.vector_load %arg8[%swap3A_158] {strides = array<i32>} : memref<1024xf32, #tpu.memory_space<vmem>>, vector<16xf32>,
      tpu.vector_store %arg8[%swap3A_158], %broadcast_in_dim3A_4 {strides = array<i32>} : memref<1024xf32, #tpu.memory_space<vmem>>, vector<16xf32>,
      %swap3A_160 = arith.constant 624 : index
      %swap3A_161 = tpu.vector_load %arg7[%swap3A_160] {strides = array<i32>} : memref<1024xf32, #tpu.memory_space<vmem>>, vector<16xf32>,
      tpu.vector_store %arg7[%swap3A_160], %broadcast_in_dim3A_4 {strides = array<i32>} : memref<1024xf32, #tpu.memory_space<vmem>>, vector<16xf32>,
      %swap3A_162 = arith.constant 624 : index
      %swap3A_163 = tpu.vector_load %arg8[%swap3A_162] {strides = array<i32>} : memref<1024xf32, #tpu.memory_space<vmem>>, vector<16xf32>,
      tpu.vector_store %arg8[%swap3A_162], %broadcast_in_dim3A_4 {strides = array<i32>} : memref<1024xf32, #tpu.memory_space<vmem>>, vector<16xf32>,
      %swap3A_164 = arith.constant 640 : index
      %swap3A_165 = tpu.vector_load %arg7[%swap3A_164] {strides = array<i32>} : memref<1024xf32, #tpu.memory_space<vmem>>, vector<16xf32>,
      tpu.vector_store %arg7[%swap3A_164], %broadcast_in_dim3A_4 {strides = array<i32>} : memref<1024xf32, #tpu.memory_space<vmem>>, vector<16xf32>,
      %swap3A_166 = arith.constant 640 : index
      %swap3A_167 = tpu.vector_load %arg8[%swap3A_166] {strides = array<i32>} : memref<1024xf32, #tpu.memory_space<vmem>>, vector<16xf32>,
      tpu.vector_store %arg8[%swap3A_166], %broadcast_in_dim3A_4 {strides = array<i32>} : memref<1024xf32, #tpu.memory_space<vmem>>, vector<16xf32>,
      %swap3A_168 = arith.constant 656 : index
      %swap3A_169 = tpu.vector_load %arg7[%swap3A_168] {strides = array<i32>} : memref<1024xf32, #tpu.memory_space<vmem>>, vector<16xf32>,
      tpu.vector_store %arg7[%swap3A_168], %broadcast_in_dim3A_4 {strides = array<i32>} : memref<1024xf32, #tpu.memory_space<vmem>>, vector<16xf32>,
      %swap3A_170 = arith.constant 656 : index
      %swap3A_171 = tpu.vector_load %arg8[%swap3A_170] {strides = array<i32>} : memref<1024xf32, #tpu.memory_space<vmem>>, vector<16xf32>,
      tpu.vector_store %arg8[%swap3A_170], %broadcast_in_dim3A_4 {strides = array<i32>} : memref<1024xf32, #tpu.memory_space<vmem>>, vector<16xf32>,
      %swap3A_172 = arith.constant 672 : index
      %swap3A_173 = tpu.vector_load %arg7[%swap3A_172] {strides = array<i32>} : memref<1024xf32, #tpu.memory_space<vmem>>, vector<16xf32>,
      tpu.vector_store %arg7[%swap3A_172], %broadcast_in_dim3A_4 {strides = array<i32>} : memref<1024xf32, #tpu.memory_space<vmem>>, vector<16xf32>,
      %swap3A_174 = arith.constant 672 : index
      %swap3A_175 = tpu.vector_load %arg8[%swap3A_174] {strides = array<i32>} : memref<1024xf32, #tpu.memory_space<vmem>>, vector<16xf32>,
      tpu.vector_store %arg8[%swap3A_174], %broadcast_in_dim3A_4 {strides = array<i32>} : memref<1024xf32, #tpu.memory_space<vmem>>, vector<16xf32>,
      %swap3A_176 = arith.constant 688 : index
      %swap3A_177 = tpu.vector_load %arg7[%swap3A_176] {strides = array<i32>} : memref<1024xf32, #tpu.memory_space<vmem>>, vector<16xf32>,
      tpu.vector_store %arg7[%swap3A_176], %broadcast_in_dim3A_4 {strides = array<i32>} : memref<1024xf32, #tpu.memory_space<vmem>>, vector<16xf32>,
      %swap3A_178 = arith.constant 688 : index
      %swap3A_179 = tpu.vector_load %arg8[%swap3A_178] {strides = array<i32>} : memref<1024xf32, #tpu.memory_space<vmem>>, vector<16xf32>,
      tpu.vector_store %arg8[%swap3A_178], %broadcast_in_dim3A_4 {strides = array<i32>} : memref<1024xf32, #tpu.memory_space<vmem>>, vector<16xf32>,
      %swap3A_180 = arith.constant 704 : index
      %swap3A_181 = tpu.vector_load %arg7[%swap3A_180] {strides = array<i32>} : memref<1024xf32, #tpu.memory_space<vmem>>, vector<16xf32>,
      tpu.vector_store %arg7[%swap3A_180], %broadcast_in_dim3A_4 {strides = array<i32>} : memref<1024xf32, #tpu.memory_space<vmem>>, vector<16xf32>,
      %swap3A_182 = arith.constant 704 : index
      %swap3A_183 = tpu.vector_load %arg8[%swap3A_182] {strides = array<i32>} : memref<1024xf32, #tpu.memory_space<vmem>>, vector<16xf32>,
      tpu.vector_store %arg8[%swap3A_182], %broadcast_in_dim3A_4 {strides = array<i32>} : memref<1024xf32, #tpu.memory_space<vmem>>, vector<16xf32>,
      %swap3A_184 = arith.constant 720 : index
      %swap3A_185 = tpu.vector_load %arg7[%swap3A_184] {strides = array<i32>} : memref<1024xf32, #tpu.memory_space<vmem>>, vector<16xf32>,
      tpu.vector_store %arg7[%swap3A_184], %broadcast_in_dim3A_4 {strides = array<i32>} : memref<1024xf32, #tpu.memory_space<vmem>>, vector<16xf32>,
      %swap3A_186 = arith.constant 720 : index
      %swap3A_187 = tpu.vector_load %arg8[%swap3A_186] {strides = array<i32>} : memref<1024xf32, #tpu.memory_space<vmem>>, vector<16xf32>,
      tpu.vector_store %arg8[%swap3A_186], %broadcast_in_dim3A_4 {strides = array<i32>} : memref<1024xf32, #tpu.memory_space<vmem>>, vector<16xf32>,
      %swap3A_188 = arith.constant 736 : index
      %swap3A_189 = tpu.vector_load %arg7[%swap3A_188] {strides = array<i32>} : memref<1024xf32, #tpu.memory_space<vmem>>, vector<16xf32>,
      tpu.vector_store %arg7[%swap3A_188], %broadcast_in_dim3A_4 {strides = array<i32>} : memref<1024xf32, #tpu.memory_space<vmem>>, vector<16xf32>,
      %swap3A_190 = arith.constant 736 : index
      %swap3A_191 = tpu.vector_load %arg8[%swap3A_190] {strides = array<i32>} : memref<1024xf32, #tpu.memory_space<vmem>>, vector<16xf32>,
      tpu.vector_store %arg8[%swap3A_190], %broadcast_in_dim3A_4 {strides = array<i32>} : memref<1024xf32, #tpu.memory_space<vmem>>, vector<16xf32>,
      %swap3A_192 = arith.constant 752 : index
      %swap3A_193 = tpu.vector_load %arg7[%swap3A_192] {strides = array<i32>} : memref<1024xf32, #tpu.memory_space<vmem>>, vector<16xf32>,
      tpu.vector_store %arg7[%swap3A_192], %broadcast_in_dim3A_4 {strides = array<i32>} : memref<1024xf32, #tpu.memory_space<vmem>>, vector<16xf32>,
      %swap3A_194 = arith.constant 752 : index
      %swap3A_195 = tpu.vector_load %arg8[%swap3A_194] {strides = array<i32>} : memref<1024xf32, #tpu.memory_space<vmem>>, vector<16xf32>,
      tpu.vector_store %arg8[%swap3A_194], %broadcast_in_dim3A_4 {strides = array<i32>} : memref<1024xf32, #tpu.memory_space<vmem>>, vector<16xf32>,
      %swap3A_196 = arith.constant 768 : index
      %swap3A_197 = tpu.vector_load %arg7[%swap3A_196] {strides = array<i32>} : memref<1024xf32, #tpu.memory_space<vmem>>, vector<16xf32>,
      tpu.vector_store %arg7[%swap3A_196], %broadcast_in_dim3A_4 {strides = array<i32>} : memref<1024xf32, #tpu.memory_space<vmem>>, vector<16xf32>,
      %swap3A_198 = arith.constant 768 : index
      %swap3A_199 = tpu.vector_load %arg8[%swap3A_198] {strides = array<i32>} : memref<1024xf32, #tpu.memory_space<vmem>>, vector<16xf32>,
      tpu.vector_store %arg8[%swap3A_198], %broadcast_in_dim3A_4 {strides = array<i32>} : memref<1024xf32, #tpu.memory_space<vmem>>, vector<16xf32>,
      %swap3A_200 = arith.constant 784 : index
      %swap3A_201 = tpu.vector_load %arg7[%swap3A_200] {strides = array<i32>} : memref<1024xf32, #tpu.memory_space<vmem>>, vector<16xf32>,
      tpu.vector_store %arg7[%swap3A_200], %broadcast_in_dim3A_4 {strides = array<i32>} : memref<1024xf32, #tpu.memory_space<vmem>>, vector<16xf32>,
      %swap3A_202 = arith.constant 784 : index
      %swap3A_203 = tpu.vector_load %arg8[%swap3A_202] {strides = array<i32>} : memref<1024xf32, #tpu.memory_space<vmem>>, vector<16xf32>,
      tpu.vector_store %arg8[%swap3A_202], %broadcast_in_dim3A_4 {strides = array<i32>} : memref<1024xf32, #tpu.memory_space<vmem>>, vector<16xf32>,
      %swap3A_204 = arith.constant 800 : index
      %swap3A_205 = tpu.vector_load %arg7[%swap3A_204] {strides = array<i32>} : memref<1024xf32, #tpu.memory_space<vmem>>, vector<16xf32>,
      tpu.vector_store %arg7[%swap3A_204], %broadcast_in_dim3A_4 {strides = array<i32>} : memref<1024xf32, #tpu.memory_space<vmem>>, vector<16xf32>,
      %swap3A_206 = arith.constant 800 : index
      %swap3A_207 = tpu.vector_load %arg8[%swap3A_206] {strides = array<i32>} : memref<1024xf32, #tpu.memory_space<vmem>>, vector<16xf32>,
      tpu.vector_store %arg8[%swap3A_206], %broadcast_in_dim3A_4 {strides = array<i32>} : memref<1024xf32, #tpu.memory_space<vmem>>, vector<16xf32>,
      %swap3A_208 = arith.constant 816 : index
      %swap3A_209 = tpu.vector_load %arg7[%swap3A_208] {strides = array<i32>} : memref<1024xf32, #tpu.memory_space<vmem>>, vector<16xf32>,
      tpu.vector_store %arg7[%swap3A_208], %broadcast_in_dim3A_4 {strides = array<i32>} : memref<1024xf32, #tpu.memory_space<vmem>>, vector<16xf32>,
      %swap3A_210 = arith.constant 816 : index
      %swap3A_211 = tpu.vector_load %arg8[%swap3A_210] {strides = array<i32>} : memref<1024xf32, #tpu.memory_space<vmem>>, vector<16xf32>,
      tpu.vector_store %arg8[%swap3A_210], %broadcast_in_dim3A_4 {strides = array<i32>} : memref<1024xf32, #tpu.memory_space<vmem>>, vector<16xf32>,
      %swap3A_212 = arith.constant 832 : index
      %swap3A_213 = tpu.vector_load %arg7[%swap3A_212] {strides = array<i32>} : memref<1024xf32, #tpu.memory_space<vmem>>, vector<16xf32>,
      tpu.vector_store %arg7[%swap3A_212], %broadcast_in_dim3A_4 {strides = array<i32>} : memref<1024xf32, #tpu.memory_space<vmem>>, vector<16xf32>,
      %swap3A_214 = arith.constant 832 : index
      %swap3A_215 = tpu.vector_load %arg8[%swap3A_214] {strides = array<i32>} : memref<1024xf32, #tpu.memory_space<vmem>>, vector<16xf32>,
      tpu.vector_store %arg8[%swap3A_214], %broadcast_in_dim3A_4 {strides = array<i32>} : memref<1024xf32, #tpu.memory_space<vmem>>, vector<16xf32>,
      %swap3A_216 = arith.constant 848 : index
      %swap3A_217 = tpu.vector_load %arg7[%swap3A_216] {strides = array<i32>} : memref<1024xf32, #tpu.memory_space<vmem>>, vector<16xf32>,
      tpu.vector_store %arg7[%swap3A_216], %broadcast_in_dim3A_4 {strides = array<i32>} : memref<1024xf32, #tpu.memory_space<vmem>>, vector<16xf32>,
      %swap3A_218 = arith.constant 848 : index
      %swap3A_219 = tpu.vector_load %arg8[%swap3A_218] {strides = array<i32>} : memref<1024xf32, #tpu.memory_space<vmem>>, vector<16xf32>,
      tpu.vector_store %arg8[%swap3A_218], %broadcast_in_dim3A_4 {strides = array<i32>} : memref<1024xf32, #tpu.memory_space<vmem>>, vector<16xf32>,
      %swap3A_220 = arith.constant 864 : index
      %swap3A_221 = tpu.vector_load %arg7[%swap3A_220] {strides = array<i32>} : memref<1024xf32, #tpu.memory_space<vmem>>, vector<16xf32>,
      tpu.vector_store %arg7[%swap3A_220], %broadcast_in_dim3A_4 {strides = array<i32>} : memref<1024xf32, #tpu.memory_space<vmem>>, vector<16xf32>,
      %swap3A_222 = arith.constant 864 : index
      %swap3A_223 = tpu.vector_load %arg8[%swap3A_222] {strides = array<i32>} : memref<1024xf32, #tpu.memory_space<vmem>>, vector<16xf32>,
      tpu.vector_store %arg8[%swap3A_222], %broadcast_in_dim3A_4 {strides = array<i32>} : memref<1024xf32, #tpu.memory_space<vmem>>, vector<16xf32>,
      %swap3A_224 = arith.constant 880 : index
      %swap3A_225 = tpu.vector_load %arg7[%swap3A_224] {strides = array<i32>} : memref<1024xf32, #tpu.memory_space<vmem>>, vector<16xf32>,
      tpu.vector_store %arg7[%swap3A_224], %broadcast_in_dim3A_4 {strides = array<i32>} : memref<1024xf32, #tpu.memory_space<vmem>>, vector<16xf32>,
      %swap3A_226 = arith.constant 880 : index
      %swap3A_227 = tpu.vector_load %arg8[%swap3A_226] {strides = array<i32>} : memref<1024xf32, #tpu.memory_space<vmem>>, vector<16xf32>,
      tpu.vector_store %arg8[%swap3A_226], %broadcast_in_dim3A_4 {strides = array<i32>} : memref<1024xf32, #tpu.memory_space<vmem>>, vector<16xf32>,
      %swap3A_228 = arith.constant 896 : index
      %swap3A_229 = tpu.vector_load %arg7[%swap3A_228] {strides = array<i32>} : memref<1024xf32, #tpu.memory_space<vmem>>, vector<16xf32>,
      tpu.vector_store %arg7[%swap3A_228], %broadcast_in_dim3A_4 {strides = array<i32>} : memref<1024xf32, #tpu.memory_space<vmem>>, vector<16xf32>,
      %swap3A_230 = arith.constant 896 : index
      %swap3A_231 = tpu.vector_load %arg8[%swap3A_230] {strides = array<i32>} : memref<1024xf32, #tpu.memory_space<vmem>>, vector<16xf32>,
      tpu.vector_store %arg8[%swap3A_230], %broadcast_in_dim3A_4 {strides = array<i32>} : memref<1024xf32, #tpu.memory_space<vmem>>, vector<16xf32>,
      %swap3A_232 = arith.constant 912 : index
      %swap3A_233 = tpu.vector_load %arg7[%swap3A_232] {strides = array<i32>} : memref<1024xf32, #tpu.memory_space<vmem>>, vector<16xf32>,
      tpu.vector_store %arg7[%swap3A_232], %broadcast_in_dim3A_4 {strides = array<i32>} : memref<1024xf32, #tpu.memory_space<vmem>>, vector<16xf32>,
      %swap3A_234 = arith.constant 912 : index
      %swap3A_235 = tpu.vector_load %arg8[%swap3A_234] {strides = array<i32>} : memref<1024xf32, #tpu.memory_space<vmem>>, vector<16xf32>,
      tpu.vector_store %arg8[%swap3A_234], %broadcast_in_dim3A_4 {strides = array<i32>} : memref<1024xf32, #tpu.memory_space<vmem>>, vector<16xf32>,
      %swap3A_236 = arith.constant 928 : index
      %swap3A_237 = tpu.vector_load %arg7[%swap3A_236] {strides = array<i32>} : memref<1024xf32, #tpu.memory_space<vmem>>, vector<16xf32>,
      tpu.vector_store %arg7[%swap3A_236], %broadcast_in_dim3A_4 {strides = array<i32>} : memref<1024xf32, #tpu.memory_space<vmem>>, vector<16xf32>,
      %swap3A_238 = arith.constant 928 : index
      %swap3A_239 = tpu.vector_load %arg8[%swap3A_238] {strides = array<i32>} : memref<1024xf32, #tpu.memory_space<vmem>>, vector<16xf32>,
      tpu.vector_store %arg8[%swap3A_238], %broadcast_in_dim3A_4 {strides = array<i32>} : memref<1024xf32, #tpu.memory_space<vmem>>, vector<16xf32>,
      %swap3A_240 = arith.constant 944 : index
      %swap3A_241 = tpu.vector_load %arg7[%swap3A_240] {strides = array<i32>} : memref<1024xf32, #tpu.memory_space<vmem>>, vector<16xf32>,
      tpu.vector_store %arg7[%swap3A_240], %broadcast_in_dim3A_4 {strides = array<i32>} : memref<1024xf32, #tpu.memory_space<vmem>>, vector<16xf32>,
      %swap3A_242 = arith.constant 944 : index
      %swap3A_243 = tpu.vector_load %arg8[%swap3A_242] {strides = array<i32>} : memref<1024xf32, #tpu.memory_space<vmem>>, vector<16xf32>,
      tpu.vector_store %arg8[%swap3A_242], %broadcast_in_dim3A_4 {strides = array<i32>} : memref<1024xf32, #tpu.memory_space<vmem>>, vector<16xf32>,
      %swap3A_244 = arith.constant 960 : index
      %swap3A_245 = tpu.vector_load %arg7[%swap3A_244] {strides = array<i32>} : memref<1024xf32, #tpu.memory_space<vmem>>, vector<16xf32>,
      tpu.vector_store %arg7[%swap3A_244], %broadcast_in_dim3A_4 {strides = array<i32>} : memref<1024xf32, #tpu.memory_space<vmem>>, vector<16xf32>,
      %swap3A_246 = arith.constant 960 : index
      %swap3A_247 = tpu.vector_load %arg8[%swap3A_246] {strides = array<i32>} : memref<1024xf32, #tpu.memory_space<vmem>>, vector<16xf32>,
      tpu.vector_store %arg8[%swap3A_246], %broadcast_in_dim3A_4 {strides = array<i32>} : memref<1024xf32, #tpu.memory_space<vmem>>, vector<16xf32>,
      %swap3A_248 = arith.constant 976 : index
      %swap3A_249 = tpu.vector_load %arg7[%swap3A_248] {strides = array<i32>} : memref<1024xf32, #tpu.memory_space<vmem>>, vector<16xf32>,
      tpu.vector_store %arg7[%swap3A_248], %broadcast_in_dim3A_4 {strides = array<i32>} : memref<1024xf32, #tpu.memory_space<vmem>>, vector<16xf32>,
      %swap3A_250 = arith.constant 976 : index
      %swap3A_251 = tpu.vector_load %arg8[%swap3A_250] {strides = array<i32>} : memref<1024xf32, #tpu.memory_space<vmem>>, vector<16xf32>,
      tpu.vector_store %arg8[%swap3A_250], %broadcast_in_dim3A_4 {strides = array<i32>} : memref<1024xf32, #tpu.memory_space<vmem>>, vector<16xf32>,
      %swap3A_252 = arith.constant 992 : index
      %swap3A_253 = tpu.vector_load %arg7[%swap3A_252] {strides = array<i32>} : memref<1024xf32, #tpu.memory_space<vmem>>, vector<16xf32>,
      tpu.vector_store %arg7[%swap3A_252], %broadcast_in_dim3A_4 {strides = array<i32>} : memref<1024xf32, #tpu.memory_space<vmem>>, vector<16xf32>,
      %swap3A_254 = arith.constant 992 : index
      %swap3A_255 = tpu.vector_load %arg8[%swap3A_254] {strides = array<i32>} : memref<1024xf32, #tpu.memory_space<vmem>>, vector<16xf32>,
      tpu.vector_store %arg8[%swap3A_254], %broadcast_in_dim3A_4 {strides = array<i32>} : memref<1024xf32, #tpu.memory_space<vmem>>, vector<16xf32>,
      %swap3A_256 = arith.constant 1008 : index
      %swap3A_257 = tpu.vector_load %arg7[%swap3A_256] {strides = array<i32>} : memref<1024xf32, #tpu.memory_space<vmem>>, vector<16xf32>,
      tpu.vector_store %arg7[%swap3A_256], %broadcast_in_dim3A_4 {strides = array<i32>} : memref<1024xf32, #tpu.memory_space<vmem>>, vector<16xf32>,
      %swap3A_258 = arith.constant 1008 : index
      %swap3A_259 = tpu.vector_load %arg8[%swap3A_258] {strides = array<i32>} : memref<1024xf32, #tpu.memory_space<vmem>>, vector<16xf32>,
      tpu.vector_store %arg8[%swap3A_258], %broadcast_in_dim3A_4 {strides = array<i32>} : memref<1024xf32, #tpu.memory_space<vmem>>, vector<16xf32>,
      %get3A = arith.constant 0 : index
      %get3A_260 = tpu.vector_load %arg10[%get3A] {strides = array<i32>} : memref<32xf32, #tpu.memory_space<vmem>>, vector<16xf32>,
      %get3A_261 = arith.constant 16 : index
      %get3A_262 = tpu.vector_load %arg10[%get3A_261] {strides = array<i32>} : memref<32xf32, #tpu.memory_space<vmem>>, vector<16xf32>,
      %iota3A = tpu.iota {dimensions = array<i32: 0>} : vector<16xi32>
      %get3A_263 = arith.constant 0 : index
      %get3A_264 = tpu.vector_load %arg9[%get3A_263] {strides = array<i32>} : memref<64xi32, #tpu.memory_space<vmem>>, vector<16xi32>,
      %add3A = arith.constant 0 : i32
      %add3A_265 = vector.broadcast %add3A : i32 to vector<16xi32>
      %add3A_266 = arith.addi %iota3A, %add3A_265 : vector<16xi32>
      %lt3A = arith.constant 50 : i32
      %lt3A_267 = vector.broadcast %lt3A : i32 to vector<16xi32>
      %lt3A_268 = arith.cmpi slt, %add3A_266, %lt3A_267 : vector<16xi32>
      tpu.vector_store_idx %arg7[%get3A_264], %get3A_260 masked %lt3A_268 : memref<1024xf32, #tpu.memory_space<vmem>>[vector<16xi32>], vector<16xf32>, vector<16xi1>
      tpu.vector_store_idx %arg8[%get3A_264], %get3A_262 masked %lt3A_268 : memref<1024xf32, #tpu.memory_space<vmem>>[vector<16xi32>], vector<16xf32>, vector<16xi1>
      %get3A_269 = arith.constant 16 : index
      %get3A_270 = tpu.vector_load %arg9[%get3A_269] {strides = array<i32>} : memref<64xi32, #tpu.memory_space<vmem>>, vector<16xi32>,
      %add3A_271 = arith.constant 16 : i32
      %add3A_272 = vector.broadcast %add3A_271 : i32 to vector<16xi32>
      %add3A_273 = arith.addi %iota3A, %add3A_272 : vector<16xi32>
      %lt3A_274 = arith.constant 50 : i32
      %lt3A_275 = vector.broadcast %lt3A_274 : i32 to vector<16xi32>
      %lt3A_276 = arith.cmpi slt, %add3A_273, %lt3A_275 : vector<16xi32>
      tpu.vector_store_idx %arg7[%get3A_270], %get3A_260 masked %lt3A_276 : memref<1024xf32, #tpu.memory_space<vmem>>[vector<16xi32>], vector<16xf32>, vector<16xi1>
      tpu.vector_store_idx %arg8[%get3A_270], %get3A_262 masked %lt3A_276 : memref<1024xf32, #tpu.memory_space<vmem>>[vector<16xi32>], vector<16xf32>, vector<16xi1>
      %get3A_277 = arith.constant 32 : index
      %get3A_278 = tpu.vector_load %arg9[%get3A_277] {strides = array<i32>} : memref<64xi32, #tpu.memory_space<vmem>>, vector<16xi32>,
      %add3A_279 = arith.constant 32 : i32
      %add3A_280 = vector.broadcast %add3A_279 : i32 to vector<16xi32>
      %add3A_281 = arith.addi %iota3A, %add3A_280 : vector<16xi32>
      %lt3A_282 = arith.constant 50 : i32
      %lt3A_283 = vector.broadcast %lt3A_282 : i32 to vector<16xi32>
      %lt3A_284 = arith.cmpi slt, %add3A_281, %lt3A_283 : vector<16xi32>
      tpu.vector_store_idx %arg7[%get3A_278], %get3A_260 masked %lt3A_284 : memref<1024xf32, #tpu.memory_space<vmem>>[vector<16xi32>], vector<16xf32>, vector<16xi1>
      tpu.vector_store_idx %arg8[%get3A_278], %get3A_262 masked %lt3A_284 : memref<1024xf32, #tpu.memory_space<vmem>>[vector<16xi32>], vector<16xf32>, vector<16xi1>
      %get3A_285 = arith.constant 48 : index
      %get3A_286 = tpu.vector_load %arg9[%get3A_285] {strides = array<i32>} : memref<64xi32, #tpu.memory_space<vmem>>, vector<16xi32>,
      %add3A_287 = arith.constant 48 : i32
      %add3A_288 = vector.broadcast %add3A_287 : i32 to vector<16xi32>
      %add3A_289 = arith.addi %iota3A, %add3A_288 : vector<16xi32>
      %lt3A_290 = arith.constant 50 : i32
      %lt3A_291 = vector.broadcast %lt3A_290 : i32 to vector<16xi32>
      %lt3A_292 = arith.cmpi slt, %add3A_289, %lt3A_291 : vector<16xi32>
      tpu.vector_store_idx %arg7[%get3A_286], %get3A_260 masked %lt3A_292 : memref<1024xf32, #tpu.memory_space<vmem>>[vector<16xi32>], vector<16xf32>, vector<16xi1>
      tpu.vector_store_idx %arg8[%get3A_286], %get3A_262 masked %lt3A_292 : memref<1024xf32, #tpu.memory_space<vmem>>[vector<16xi32>], vector<16xf32>, vector<16xi1>
      "tpu.region"() ({
        %run_scoped3A = tpu.sem_alloc : memref<!tpu.dma_semaphore, #tpu.memory_space<semaphore_mem>>
        tpu.enqueue_dma source(%arg7 : memref<1024xf32, #tpu.memory_space<vmem>>) target(%arg5 : memref<1024xf32, #tpu.memory_space<hbm>>) target_semaphore(%run_scoped3A : memref<!tpu.dma_semaphore, #tpu.memory_space<semaphore_mem>>)
        tpu.wait_dma2 semaphore(%run_scoped3A : memref<!tpu.dma_semaphore, #tpu.memory_space<semaphore_mem>>) src(%arg7 : memref<1024xf32, #tpu.memory_space<vmem>>) dst(%arg5 : memref<1024xf32, #tpu.memory_space<hbm>>)
        tpu.yield
      }) : () -> ()
      "tpu.region"() ({
        %run_scoped3A = tpu.sem_alloc : memref<!tpu.dma_semaphore, #tpu.memory_space<semaphore_mem>>
        tpu.enqueue_dma source(%arg8 : memref<1024xf32, #tpu.memory_space<vmem>>) target(%arg6 : memref<1024xf32, #tpu.memory_space<hbm>>) target_semaphore(%run_scoped3A : memref<!tpu.dma_semaphore, #tpu.memory_space<semaphore_mem>>)
        tpu.wait_dma2 semaphore(%run_scoped3A : memref<!tpu.dma_semaphore, #tpu.memory_space<semaphore_mem>>) src(%arg8 : memref<1024xf32, #tpu.memory_space<vmem>>) dst(%arg6 : memref<1024xf32, #tpu.memory_space<hbm>>)
        tpu.yield
      }) : () -> ()
    } else {
    }
    return
  }
}

module attributes {stable_mosaic.version = 14 : i64} {
  func.func @tc_affine(%arg0: i32, %arg1: memref<512x1000xf32, #tpu.memory_space<vmem>>, %arg2: memref<1x1000xf32, #tpu.memory_space<vmem>>, %arg3: memref<1x1000xf32, #tpu.memory_space<vmem>>, %arg4: memref<512x1000xf32, #tpu.memory_space<vmem>>) attributes {dimension_semantics = [#tpu.dimension_semantics<arbitrary>], iteration_bounds = array<i64: 8>, scalar_prefetch = 0 : i64, scratch_operands = 0 : i64, tpu.core_type = #tpu.core_type<tc>, window_params = [{transform_indices = @transform_0, window_bounds = array<i64: 512, 1000>}, {pipeline_mode = #tpu.pipeline_mode<synchronous>, transform_indices = @transform_1, window_bounds = array<i64: 1, 1000>}, {pipeline_mode = #tpu.pipeline_mode<synchronous>, transform_indices = @transform_2, window_bounds = array<i64: 1, 1000>}, {transform_indices = @transform_3, window_bounds = array<i64: 512, 1000>}]} {
    %get3A = arith.constant 0 : index
    %get3A_0 = arith.constant 0 : index
    %get3A_1 = vector.load %arg1[%get3A, %get3A_0] : memref<512x1000xf32, #tpu.memory_space<vmem>>, vector<512x1000xf32>
    %get3A_2 = arith.constant 0 : index
    %get3A_3 = arith.constant 0 : index
    %get3A_4 = vector.load %arg2[%get3A_2, %get3A_3] : memref<1x1000xf32, #tpu.memory_space<vmem>>, vector<1x1000xf32>
    %mul3A = vector.broadcast %get3A_4 : vector<1x1000xf32> to vector<512x1000xf32>
    %mul3A_5 = arith.mulf %get3A_1, %mul3A : vector<512x1000xf32>
    %get3A_6 = arith.constant 0 : index
    %get3A_7 = arith.constant 0 : index
    %get3A_8 = vector.load %arg3[%get3A_6, %get3A_7] : memref<1x1000xf32, #tpu.memory_space<vmem>>, vector<1x1000xf32>
    %add3A = vector.broadcast %get3A_8 : vector<1x1000xf32> to vector<512x1000xf32>
    %add3A_9 = arith.addf %mul3A_5, %add3A : vector<512x1000xf32>
    %swap3A = arith.constant 0 : index
    %swap3A_10 = arith.constant 0 : index
    %swap3A_11 = vector.load %arg4[%swap3A, %swap3A_10] : memref<512x1000xf32, #tpu.memory_space<vmem>>, vector<512x1000xf32>
    tpu.vector_store %arg4[%swap3A, %swap3A_10], %add3A_9 {strides = array<i32>} : memref<512x1000xf32, #tpu.memory_space<vmem>>, vector<512x1000xf32>,
    return
  }
  func.func @transform_0(%arg0: i32) -> (i32, i32) {
    %c0_i32 = arith.constant 0 : i32
    %c0_i32_0 = arith.constant 0 : i32
    return %arg0, %c0_i32 : i32, i32
  }
  func.func @transform_1(%arg0: i32) -> (i32, i32) {
    %c0_i32 = arith.constant 0 : i32
    %c0_i32_0 = arith.constant 0 : i32
    %c0_i32_1 = arith.constant 0 : i32
    return %c0_i32, %c0_i32_0 : i32, i32
  }
  func.func @transform_2(%arg0: i32) -> (i32, i32) {
    %c0_i32 = arith.constant 0 : i32
    %c0_i32_0 = arith.constant 0 : i32
    %c0_i32_1 = arith.constant 0 : i32
    return %c0_i32, %c0_i32_0 : i32, i32
  }
  func.func @transform_3(%arg0: i32) -> (i32, i32) {
    %c0_i32 = arith.constant 0 : i32
    %c0_i32_0 = arith.constant 0 : i32
    return %arg0, %c0_i32 : i32, i32
  }
}

</mosaic_0001>

<sc_bundles>
// kernel: sc_coeff_scatter.3.cloned.1.call-start
scs
__scs_entry_jumppad:
0x0: {  	(pc) =	sbr.rel $0x88, $3  }
0x1: {  	(tag) =	ssettag $0x0;
	lr =	simm.s32 $0x1  }
0x2: {  	[smem:$0x3F9D] =	sst lr;
	_ =	strace $0xD0000000  }
0x3: {  	_ = 	snop  }
0x4: {  	_ = 	snop  }
0x5: {  	_ = 	snop  }
0x6: {  	_ = 	snop  }
0x7: {  	_ = 	snop  }
__scs_overlays_trampoline_lowered:
0x8: {  	[smem:$0x3FAC] =	sst s0  }
0x9: {  	[smem:$0x3FAD] =	sst s1  }
0xa: {  	[smem:$0x3FAE] =	sst s2  }
0xb: {  	[smem:$0x3FAF] =	sst s3  }
0xc: {  	[smem:$0x3FB0] =	sst s4  }
0xd: {  	[smem:$0x3FB1] =	sst s5  }
0xe: {  	[smem:$0x3FB2] =	sst s6  }
0xf: {  	[smem:$0x3FB3] =	sst s7  }
0x10: {  	[smem:$0x3FB4] =	sst s8  }
0x11: {  	[smem:$0x3FB5] =	sst s9;
	s0 =	simm.s32 @!p0 $0x0  }
0x12: {  	s1 =	sld [smem:$0x3F9B];
	s0 =	simm.s32 @p0 $0x1  }
0x13: {  	[smem:$0x3FB6] =	sst s0;
	s0 =	simm.s32 @!p1 $0x0  }
0x14: {  	s2 =	sld [smem:$0x3F9A];
	s0 =	simm.s32 @p1 $0x1  }
0x15: {  	[smem:$0x3FB7] =	sst s0;
	s0 =	simm.s32 @!p2 $0x0  }
0x16: {  	s3 =	sld [smem:$0x3FDB];
	s0 =	simm.s32 @p2 $0x1  }
0x17: {  	s4 =	simm.s32 $0x1BF5;
	[smem:$0x3FB9] =	sst s0  }
0x18: {  	s0 =	sld [smem:$0x3F9C];
	_ =	swait.ge [sflag:s4], $0x0  }
0x19: {  	s7 =	sld [smem:$0x3F9D]  }
0x1a: {  	s8 =	sadd.s32 $0xFFFFE003, lr  }
0x1b: {  	s9 =	sadd.s32 $0xFFFFFEF7, lr;
	s5 =	simm.s32 $0xFFFFFFFF;
	p2 =	slt.u32 s8, $0xFFFFF086  }
0x1c: {  	p1 =	slt.u32 s9, $0xF7A;
	s5 =	simm.s32 @!p2 $0x0  }
0x1d: {  	s5 =	simm.s32 @p1 $0x1;
	p0 =	seq.s32 s7, s2  }
0x1e: {  	s7 =	smul.u32 @!p0 $0xF7A, s2;
	p2 =	seq.s32 @!p0 s5, $0x0  }
0x1f: {  	s9 =	smul.u32 $0xF7A, s1;
	s8 =	simm.s32 @!p0 $0x1BF5;
	p2 =	por !p2, p0  }
0x20: {  	[sflag:s8] =	ssyncset.s32 @!p0 $0xFFFFF086;
	s6 =	sadd.s32 @!p0 s3, s7;
	s7 =	simm.s32 @!p0 $0x108  }
0x21: {  	s3 =	sadd.s32 s3, s9;
	s6 =	sadd.s32 @!p0 $0x88, s6;
	s7 =	simm.s32 @p2 $0x1082  }
0x22: {  	[simem:s7], [sflag:s8] =	dma.local @!p0 [hbm:s6], $0xF7A  }
0x23: {  	s9 =	sor.u32 $0xD0000000, s2;
	s6 =	simm.s32 $0x108;
	_ =	swait.ge @!p0 [sflag:s8], $0x0  }
0x24: {  	s3 =	sadd.s32 $0x88, s3;
	s6 =	simm.s32 @!p1 $0x1082;
	[sflag:s4] =	ssyncset.s32 $0xFFFFF086  }
0x25: {  	[simem:s6], [sflag:s4] =	dma.local [hbm:s3], $0xF7A  }
0x26: {  	[smem:$0x3F9D] =	sst s1;
	(tag) =	ssettag s2;
	_ =	strace s9  }
0x27: {  	s1 =	sld [smem:$0x3FAD]  }
0x28: {  	s2 =	sld [smem:$0x3FAE]  }
0x29: {  	s4 =	sld [smem:$0x3FB0]  }
0x2a: {  	p0 =	seq.s32 s5, $0x0;
	s5 =	sld [smem:$0x3FB1]  }
0x2b: {  	s6 =	sld [smem:$0x3FB2]  }
0x2c: {  	s7 =	sld [smem:$0x3FB3]  }
0x2d: {  	s3 =	simm.s32 $0x108;
	s8 =	sld [smem:$0x3FB4]  }
0x2e: {  	s3 =	simm.s32 @!p0 $0x1082;
	s9 =	sld [smem:$0x3FB5]  }
0x2f: {  	lr =	sadd.s32 s0, s3;
	s0 =	sld [smem:$0x3FAC]  }
0x30: {  	s3 =	sld [smem:$0x3FAF]  }
0x31: {  	[smem:$0x3FB8] =	sst s10  }
0x32: {  	s10 =	sld [smem:$0x3FB6];
	_ =	sdelay $0x3  }
0x33: {  	p0 =	seq.s32 s10, $0x1;
	s10 =	sld [smem:$0x3FB8];
	_ =	sdelay $0x3  }
0x34: {  	[smem:$0x3FB8] =	sst s10  }
0x35: {  	s10 =	sld [smem:$0x3FB7];
	_ =	sdelay $0x3  }
0x36: {  	p1 =	seq.s32 s10, $0x1;
	s10 =	sld [smem:$0x3FB8];
	_ =	sdelay $0x3  }
0x37: {  	[smem:$0x3FB8] =	sst s10  }
0x38: {  	s10 =	sld [smem:$0x3FB9]  }
0x39: {  	_ = 	snop;
	(pc) =	sbr.ind lr, $3  }
0x3a: {  	_ = 	snop  }
0x3b: {  	_ = 	snop  }
0x3c: {  	p2 =	seq.s32 s10, $0x1;
	s10 =	sld [smem:$0x3FB8]  }
0x3d: {  	_ =	shalt  }
0x3e: {  	_ =	shalt  }
0x3f: {  	_ =	shalt  }
0x40: {  	_ =	shalt  }
0x41: {  	_ =	shalt  }
0x42: {  	_ =	shalt  }
0x43: {  	_ =	shalt  }
0x44: {  	_ =	shalt  }
0x45: {  	_ =	shalt  }
0x46: {  	_ =	shalt  }
0x47: {  	_ =	shalt  }
0x48: {  	_ =	shalt  }
0x49: {  	_ =	shalt  }
0x4a: {  	_ =	shalt  }
0x4b: {  	_ =	shalt  }
0x4c: {  	_ =	shalt  }
0x4d: {  	_ =	shalt  }
0x4e: {  	_ =	shalt  }
0x4f: {  	_ =	shalt  }
0x50: {  	_ =	shalt  }
0x51: {  	_ =	shalt  }
0x52: {  	_ =	shalt  }
0x53: {  	_ =	shalt  }
0x54: {  	_ =	shalt  }
0x55: {  	_ =	shalt  }
0x56: {  	_ =	shalt  }
0x57: {  	_ =	shalt  }
0x58: {  	_ =	shalt  }
0x59: {  	_ =	shalt  }
0x5a: {  	_ =	shalt  }
0x5b: {  	_ =	shalt  }
0x5c: {  	_ =	shalt  }
0x5d: {  	_ =	shalt  }
0x5e: {  	_ =	shalt  }
0x5f: {  	_ =	shalt  }
0x60: {  	_ =	shalt  }
0x61: {  	_ =	shalt  }
0x62: {  	_ =	shalt  }
0x63: {  	_ =	shalt  }
0x64: {  	_ =	shalt  }
0x65: {  	_ =	shalt  }
0x66: {  	_ =	shalt  }
0x67: {  	_ =	shalt  }
0x68: {  	_ =	shalt  }
0x69: {  	_ =	shalt  }
0x6a: {  	_ =	shalt  }
0x6b: {  	_ =	shalt  }
0x6c: {  	_ =	shalt  }
0x6d: {  	_ =	shalt  }
0x6e: {  	_ =	shalt  }
0x6f: {  	_ =	shalt  }
0x70: {  	_ =	shalt  }
0x71: {  	_ =	shalt  }
0x72: {  	_ =	shalt  }
0x73: {  	_ =	shalt  }
0x74: {  	_ =	shalt  }
0x75: {  	_ =	shalt  }
0x76: {  	_ =	shalt  }
0x77: {  	_ =	shalt  }
0x78: {  	_ =	shalt  }
0x79: {  	_ =	shalt  }
0x7a: {  	_ =	shalt  }
0x7b: {  	_ =	shalt  }
0x7c: {  	_ =	shalt  }
0x7d: {  	_ =	shalt  }
0x7e: {  	_ =	shalt  }
0x7f: {  	_ =	shalt  }
0x80: {  	_ =	shalt  }
0x81: {  	_ =	shalt  }
0x82: {  	_ =	shalt  }
0x83: {  	_ =	shalt  }
0x84: {  	_ =	shalt  }
0x85: {  	_ =	shalt  }
0x86: {  	_ =	shalt  }
0x87: {  	_ =	shalt  }
.Lfunc_end0:
.L_simem_size_0:
called_computation_lowered:
.L_overlay_start_0:
0x88: {  	s2 =	sld [smem:$0x3FD9]  }
0x89: {  	s3 =	sld [smem:$0x3FFE];
	_ =	sdelay $0x1  }
0x8a: {  	s1 =	srdreg.scid  }
0x8b: {  	s0 =	sand.u32 $0x1, s1  }
0x8c: {  	s17 =	sshll.u32 s0, $0xA;
	s2 =	sadd.s32 s3, s2  }
0x8d: {  	s2 =	sadd.s32 s2, s17  }
0x8e: {  	[smem:$0x3FC4] =	sst s2  }
0x8f: {  	_ = 	snop  }
0x90: {  	s2 =	sld [smem:$0x3FD0];
	(tm) =	ssettm $0x1  }
0x91: {  	s18 =	sld [smem:$0x3FFB];
	_ =	sdelay $0x3  }
0x92: {  	_ =	strace s18  }
0x93: {  	s3 =	sld [smem:$0x3FFC];
	_ =	sdelay $0x3  }
0x94: {  	_ =	strace s3  }
0x95: {  	s3 =	sld [smem:$0x3FFD];
	_ =	sdelay $0x3  }
0x96: {  	_ =	strace s3  }
0x97: {  	_ =	strace $0x8FFFFFFF  }
0x98: {  	s19 =	sld [smem:$0x3FDB];
	_ =	sdelay $0x1  }
0x99: {  	s4 =	simm.s32 $_scs_section_size  }
0x9a: {  	s5 =	simm.s32 $_size__tile_overlayer_lowered;
	s6 =	simm.s32 $_tile_overlayer_lowered  }
0x9b: {  	s22 =	simm.s32 $0x1BFF;
	s21 =	sshll.u32 s6, $0x1;
	s3 =	sadd.s32 s4, s19  }
0x9c: {  	s7 =	simm.s32 $0x0;
	s20 =	sshll.u32 s5, $0x1;
	s5 =	sadd.s32 s21, s3  }
0x9d: {  	[timem:s7], [sflag:s22] =	dma.local [hbm:s5], s20  }
0x9e: {  	_ =	swait.ge [sflag:s22], s20  }
0x9f: {  	s4 =	ssub.s32 $0x0, s20;
	[sflag:s22] =	ssyncset.done $0x0  }
0xa0: {  	[sflag:s22] =	ssyncadd.s32 s4;
	_ =	sdelay $0x1  }
0xa1: {  	s23 =	simm.s32 $0x1B8B  }
0xa2: {  	_ =	swait.ge [sflag:s23], $0x1  }
0xa3: {  	[sflag:s23] =	ssyncset.done $0x0  }
0xa4: {  	s25 =	simm.s32 $0x1B8E;
	s24 =	sld [smem:$0x3FFE];
	[sflag:s23] =	ssyncadd.s32 $0xFFFFFFFF  }
0xa5: {  	s26 =	simm.s32 $execute0_lowered;
	[smem:$0x3FD2] =	sst s25  }
0xa6: {  	s5 =	sshll.u32 s26, $0x1;
	_ =	strace $0x80000046;
	[dreg:$0x1] =	wrdreg $0xFFFFFFFF  }
0xa7: {  	s28 =	simm.s32 $_size_execute0_lowered;
	s3 =	sadd.s32 s3, s5;
	[dreg:$0x0] =	wrdreg $0x0  }
0xa8: {  	s5 =	sshll.u32 s28, $0x1;
	[dreg:$0x2] =	wrdreg s3  }
0xa9: {  	[dreg:$0x3] =	wrdreg s5  }
0xaa: {  	[dreg:$0x4] =	wrdreg $0xC0  }
0xab: {  	_ =	task [dreg:s7], $0x5FFFF  }
0xac: {  	[dreg:$0x1] =	wrdreg $0xFFFFFFFF  }
0xad: {  	[dreg:$0x0] =	wrdreg $0x60  }
0xae: {  	[dreg:$0x2] =	wrdreg s24  }
0xaf: {  	[dreg:$0x3] =	wrdreg s2  }
0xb0: {  	[dreg:$0x4] =	wrdreg $0x9  }
0xb1: {  	_ =	task.clear_ibuf [dreg:s7], $0x5FFFF;
	_ =	strace $0x90000046  }
0xb2: {  	s29 =	simm.s32 $0x9;
	_ =	strace $0x80000048  }
0xb3: {  	_ =	swait.ge [sflag:s29], $0x1  }
0xb4: {  	[sflag:s29] =	ssyncadd.s32 $0xFFFFFFFF  }
0xb5: {  	_ =	strace $0x90000048  }
0xb6: {  	_ =	sfence  }
0xb7: {  	s30 =	sld [smem:$0x0];
	_ =	sdelay $0x2  }
0xb8: {  	s31 =	sshll.u32 s1, $0xD;
	s1 =	sshrl.u32 s1, $0x2  }
0xb9: {  	s3 =	sand.u32 $0x4000, s31;
	s1 =	sadd.s32 s1, s30  }
0xba: {  	s0 =	sor.u32 s3, s0;
	s1 =	sshll.u32 s1, $0x11  }
0xbb: {  	s0 =	sor.u32 s1, s0  }
0xbc: {  	s0 =	sadd.s32 $0x8F2B, s0  }
0xbd: {  	[sflag:s0] =	ssyncadd.remote.s32 $0x1  }
0xbe: {  	_ =	sfence.sel $0xFFFF  }
0xbf: {  	[dreg:$0x0] =	wrdreg $0xFFFFFFFF;
	(pc) =	sbr.abs _section_cstart, $3  }
0xc0: {  	[dreg:$0x1] =	wrdreg $0xFFFFFFFF  }
0xc1: {  	_ =	task.clear_ibuf [dreg:s7], $0x2FFFF;
	_ =	strace $0x9FFFFFFF  }
0xc2: {  	(tm) =	ssettm $0x7FFFFFFF  }
0xc3: {  	_ =	shalt  }
tec
execute0_lowered:
.L_overlay_start_1:
0x0: {  	(tag) =	ssettag $0x1  }
0x1: {  	s0 =	srdreg.scid  }
0x2: {  	s3 =	sand.u32 $0x1, s0;
	s0 =	stileid.u32  }
0x3: {  	s4 =	sor.u32 s0, s3  }
0x4: {  	p0 =	sne.s32 s4, $0x0  }
.Ltmp0:
0x5: {  	_ = 	snop;
	(pc) =	sbr.rel @p0 .LBB2_3-.Ltmp0, $4  }
0x6: {  	_ = 	snop  }
0x7: {  	s6 =	rddreg [dreg:$0x0]  }
0x8: {  	s2 =	rddreg [dreg:$0x1]  }
0x9: {  	s1 =	rddreg [dreg:$0x2];
	_ =	strace $0x80000047  }
0xa: {  	s7 =	ssub.s32 $0x2, s3  }
0xb: {  	s3 =	sadd.s32 $0x1000, s6;
	s4 =	sadd.s32 $0x1200, s6;
	s5 =	sadd.s32 $0xE00, s6  }
0xc: {  	s6 =	sadd.s32 $0x1400, s6;
	s9 =	simm.s32 $0x880;
	s10 =	simm.s32 $0x1  }
0xd: {  	s11 =	simm.s32 $0x890;
	s12 =	simm.s32 $0x800;
	s8 =	sshrl.u32 s7, $0x1  }
0xe: {  	v0 =	vimm.f32 $1.000000000e+00;
	s13 =	simm.s32 $0x400;
	s7 =	ssub.s32 s7, s8;
	s8 =	simm.s32 $0x0  }
.LBB2_2:
0xf: {  	[tilespmem:s9], [sflag:$0x1] =	stream.linear.gather [hbm4b:s3+s8], $0x10, $0x38;
	[tilespmem:$0x900] =	vst v63  }
0x10: {  	_ =	swait.ge [sflag:s10], $0x10  }
0x11: {  	[sflag:s10] =	ssyncset.done $0x0  }
0x12: {  	[sflag:s10] =	ssyncadd.s32 $0xFFFFFFF0  }
0x13: {  	[tilespmem:s11], [sflag:$0x1] =	stream.linear.gather [hbm4b:s4+s8], $0x10, $0x38;
	[tilespmem:$0x900] =	vst v63  }
0x14: {  	_ =	swait.ge [sflag:s10], $0x10  }
0x15: {  	[sflag:s10] =	ssyncset.done $0x0  }
0x16: {  	[sflag:s10] =	ssyncadd.s32 $0xFFFFFFF0  }
0x17: {  	[tilespmem:s12], [sflag:$0x1] =	stream.linear.gather [hbm4b:s5+s8], $0x80, $0x38;
	[tilespmem:$0x900] =	vst v63  }
0x18: {  	_ =	swait.ge [sflag:s10], $0x80  }
0x19: {  	[sflag:s10] =	ssyncset.done $0x0  }
0x1a: {  	[sflag:s10] =	ssyncadd.s32 $0xFFFFFF80  }
0x1b: {  	[tilespmem:$0x0] =	vst v0  }
0x1c: {  	[tilespmem:$0x400] =	vst v0  }
0x1d: {  	[tilespmem:$0x10] =	vst v0  }
0x1e: {  	[tilespmem:$0x410] =	vst v0  }
0x1f: {  	[tilespmem:$0x20] =	vst v0  }
0x20: {  	[tilespmem:$0x420] =	vst v0  }
0x21: {  	[tilespmem:$0x30] =	vst v0  }
0x22: {  	[tilespmem:$0x430] =	vst v0  }
0x23: {  	[tilespmem:$0x40] =	vst v0  }
0x24: {  	[tilespmem:$0x440] =	vst v0  }
0x25: {  	[tilespmem:$0x50] =	vst v0  }
0x26: {  	[tilespmem:$0x450] =	vst v0  }
0x27: {  	[tilespmem:$0x60] =	vst v0  }
0x28: {  	[tilespmem:$0x460] =	vst v0  }
0x29: {  	[tilespmem:$0x70] =	vst v0  }
0x2a: {  	[tilespmem:$0x470] =	vst v0  }
0x2b: {  	[tilespmem:$0x80] =	vst v0  }
0x2c: {  	[tilespmem:$0x480] =	vst v0  }
0x2d: {  	[tilespmem:$0x90] =	vst v0  }
0x2e: {  	[tilespmem:$0x490] =	vst v0  }
0x2f: {  	[tilespmem:$0xA0] =	vst v0  }
0x30: {  	[tilespmem:$0x4A0] =	vst v0  }
0x31: {  	[tilespmem:$0xB0] =	vst v0  }
0x32: {  	[tilespmem:$0x4B0] =	vst v0  }
0x33: {  	[tilespmem:$0xC0] =	vst v0  }
0x34: {  	[tilespmem:$0x4C0] =	vst v0  }
0x35: {  	[tilespmem:$0xD0] =	vst v0  }
0x36: {  	[tilespmem:$0x4D0] =	vst v0  }
0x37: {  	[tilespmem:$0xE0] =	vst v0  }
0x38: {  	[tilespmem:$0x4E0] =	vst v0  }
0x39: {  	[tilespmem:$0xF0] =	vst v0  }
0x3a: {  	[tilespmem:$0x4F0] =	vst v0  }
0x3b: {  	[tilespmem:$0x100] =	vst v0  }
0x3c: {  	[tilespmem:$0x500] =	vst v0  }
0x3d: {  	[tilespmem:$0x110] =	vst v0  }
0x3e: {  	[tilespmem:$0x510] =	vst v0  }
0x3f: {  	[tilespmem:$0x120] =	vst v0  }
0x40: {  	[tilespmem:$0x520] =	vst v0  }
0x41: {  	[tilespmem:$0x130] =	vst v0  }
0x42: {  	[tilespmem:$0x530] =	vst v0  }
0x43: {  	[tilespmem:$0x140] =	vst v0  }
0x44: {  	[tilespmem:$0x540] =	vst v0  }
0x45: {  	[tilespmem:$0x150] =	vst v0  }
0x46: {  	[tilespmem:$0x550] =	vst v0  }
0x47: {  	[tilespmem:$0x160] =	vst v0  }
0x48: {  	[tilespmem:$0x560] =	vst v0  }
0x49: {  	[tilespmem:$0x170] =	vst v0  }
0x4a: {  	[tilespmem:$0x570] =	vst v0  }
0x4b: {  	[tilespmem:$0x180] =	vst v0  }
0x4c: {  	[tilespmem:$0x580] =	vst v0  }
0x4d: {  	[tilespmem:$0x190] =	vst v0  }
0x4e: {  	[tilespmem:$0x590] =	vst v0  }
0x4f: {  	[tilespmem:$0x1A0] =	vst v0  }
0x50: {  	[tilespmem:$0x5A0] =	vst v0  }
0x51: {  	[tilespmem:$0x1B0] =	vst v0  }
0x52: {  	[tilespmem:$0x5B0] =	vst v0  }
0x53: {  	[tilespmem:$0x1C0] =	vst v0  }
0x54: {  	[tilespmem:$0x5C0] =	vst v0  }
0x55: {  	[tilespmem:$0x1D0] =	vst v0  }
0x56: {  	[tilespmem:$0x5D0] =	vst v0  }
0x57: {  	[tilespmem:$0x1E0] =	vst v0  }
0x58: {  	[tilespmem:$0x5E0] =	vst v0  }
0x59: {  	[tilespmem:$0x1F0] =	vst v0  }
0x5a: {  	[tilespmem:$0x5F0] =	vst v0  }
0x5b: {  	[tilespmem:$0x200] =	vst v0  }
0x5c: {  	[tilespmem:$0x600] =	vst v0  }
0x5d: {  	[tilespmem:$0x210] =	vst v0  }
0x5e: {  	[tilespmem:$0x610] =	vst v0  }
0x5f: {  	[tilespmem:$0x220] =	vst v0  }
0x60: {  	[tilespmem:$0x620] =	vst v0  }
0x61: {  	[tilespmem:$0x230] =	vst v0  }
0x62: {  	[tilespmem:$0x630] =	vst v0  }
0x63: {  	[tilespmem:$0x240] =	vst v0  }
0x64: {  	[tilespmem:$0x640] =	vst v0  }
0x65: {  	[tilespmem:$0x250] =	vst v0  }
0x66: {  	[tilespmem:$0x650] =	vst v0  }
0x67: {  	[tilespmem:$0x260] =	vst v0  }
0x68: {  	[tilespmem:$0x660] =	vst v0  }
0x69: {  	[tilespmem:$0x270] =	vst v0  }
0x6a: {  	[tilespmem:$0x670] =	vst v0  }
0x6b: {  	[tilespmem:$0x280] =	vst v0  }
0x6c: {  	[tilespmem:$0x680] =	vst v0  }
0x6d: {  	[tilespmem:$0x290] =	vst v0  }
0x6e: {  	[tilespmem:$0x690] =	vst v0  }
0x6f: {  	[tilespmem:$0x2A0] =	vst v0  }
0x70: {  	[tilespmem:$0x6A0] =	vst v0  }
0x71: {  	[tilespmem:$0x2B0] =	vst v0  }
0x72: {  	[tilespmem:$0x6B0] =	vst v0  }
0x73: {  	[tilespmem:$0x2C0] =	vst v0  }
0x74: {  	[tilespmem:$0x6C0] =	vst v0  }
0x75: {  	[tilespmem:$0x2D0] =	vst v0  }
0x76: {  	[tilespmem:$0x6D0] =	vst v0  }
0x77: {  	[tilespmem:$0x2E0] =	vst v0  }
0x78: {  	[tilespmem:$0x6E0] =	vst v0  }
0x79: {  	[tilespmem:$0x2F0] =	vst v0  }
0x7a: {  	[tilespmem:$0x6F0] =	vst v0  }
0x7b: {  	[tilespmem:$0x300] =	vst v0  }
0x7c: {  	[tilespmem:$0x700] =	vst v0  }
0x7d: {  	[tilespmem:$0x310] =	vst v0  }
0x7e: {  	[tilespmem:$0x710] =	vst v0  }
0x7f: {  	[tilespmem:$0x320] =	vst v0  }
0x80: {  	[tilespmem:$0x720] =	vst v0  }
0x81: {  	[tilespmem:$0x330] =	vst v0  }
0x82: {  	[tilespmem:$0x730] =	vst v0  }
0x83: {  	[tilespmem:$0x340] =	vst v0  }
0x84: {  	[tilespmem:$0x740] =	vst v0  }
0x85: {  	[tilespmem:$0x350] =	vst v0  }
0x86: {  	[tilespmem:$0x750] =	vst v0  }
0x87: {  	[tilespmem:$0x360] =	vst v0  }
0x88: {  	[tilespmem:$0x760] =	vst v0  }
0x89: {  	[tilespmem:$0x370] =	vst v0  }
0x8a: {  	[tilespmem:$0x770] =	vst v0  }
0x8b: {  	[tilespmem:$0x380] =	vst v0  }
0x8c: {  	[tilespmem:$0x780] =	vst v0  }
0x8d: {  	[tilespmem:$0x390] =	vst v0  }
0x8e: {  	[tilespmem:$0x790] =	vst v0  }
0x8f: {  	[tilespmem:$0x3A0] =	vst v0  }
0x90: {  	[tilespmem:$0x7A0] =	vst v0  }
0x91: {  	[tilespmem:$0x3B0] =	vst v0  }
0x92: {  	[tilespmem:$0x7B0] =	vst v0  }
0x93: {  	[tilespmem:$0x3C0] =	vst v0;
	v1 =	vld [tilespmem:$0x800]  }
0x94: {  	[tilespmem:$0x7C0] =	vst v0  }
0x95: {  	[tilespmem:$0x3D0] =	vst v0  }
0x96: {  	[tilespmem:$0x7D0] =	vst v0;
	v2 =	vld [tilespmem:$0x880]  }
0x97: {  	[tilespmem:$0x3E0] =	vst v0;
	v3 =	vld [tilespmem:$0x890]  }
0x98: {  	[tilespmem:$0x7E0] =	vst v0  }
0x99: {  	[tilespmem:$0x3F0] =	vst v0  }
0x9a: {  	[tilespmem:$0x7F0] =	vst v0  }
0x9b: {  	[tilespmem:v1+s8+$0x0] =	vst.idx.msk $0xffff, v2  }
0x9c: {  	[tilespmem:v1+s13+$0x0] =	vst.idx.msk $0xffff, v3  }
0x9d: {  	v1 =	vld [tilespmem:$0x810];
	_ =	sdelay $0x7  }
0x9e: {  	[tilespmem:v1+s8+$0x0] =	vst.idx.msk $0xffff, v2  }
0x9f: {  	[tilespmem:v1+s13+$0x0] =	vst.idx.msk $0xffff, v3  }
0xa0: {  	v1 =	vld [tilespmem:$0x820];
	_ =	sdelay $0x7  }
0xa1: {  	[tilespmem:v1+s8+$0x0] =	vst.idx.msk $0xffff, v2  }
0xa2: {  	[tilespmem:v1+s13+$0x0] =	vst.idx.msk $0xffff, v3  }
0xa3: {  	v1 =	vld [tilespmem:$0x830];
	_ =	sdelay $0x7  }
0xa4: {  	[tilespmem:v1+s8+$0x0] =	vst.idx.msk $0x3, v2  }
0xa5: {  	[tilespmem:v1+s13+$0x0] =	vst.idx.msk $0x3, v3  }
0xa6: {  	[hbm4b:s2+s8] =	stream.linear.scatter [tilespmem:s8], [sflag:$0x1], $0x400, $0x38;
	[tilespmem:$0x900] =	vst v63  }
0xa7: {  	_ =	swait.ge [sflag:s10], $0x400  }
0xa8: {  	p0 =	sne.s32 s7, $0x1;
	[sflag:s10] =	ssyncset.done $0x0  }
.Ltmp1:
0xa9: {  	[sflag:s10] =	ssyncadd.s32 $0xFFFFFC00;
	(pc) =	sbr.rel @p0 .LBB2_2-.Ltmp1, $4  }
0xaa: {  	[hbm4b:s6+s8] =	stream.linear.scatter [tilespmem:s13], [sflag:$0x1], $0x400, $0x38;
	[tilespmem:$0x900] =	vst v63  }
0xab: {  	_ =	swait.ge [sflag:s10], $0x400  }
0xac: {  	[sflag:s10] =	ssyncset.done $0x0  }
0xad: {  	s7 =	sadd.s32 $0xFFFFFFFF, s7;
	[sflag:s10] =	ssyncadd.s32 $0xFFFFFC00  }
.LBB2_3:
0xae: {  	_ =	sfence.sel $0x180000  }
0xaf: {  	[bflag:$0x0] =	sbarrier.arrive $0xFFFF  }
0xb0: {  	p0 =	sne.s32 s0, $0x0;
	_ =	strace $0x90000047  }
0xb1: {  	s0 =	sadd.s32 @!p0 $0x100000, s1;
	[bflag:$0x2] =	sbarrier.arrive $0xFFFF  }
0xb2: {  	[sflag:s0] =	ssyncadd.tile.s32 @!p0 $0x1;
	_ =	shalt  }
.Lfunc_end2:
_tile_overlayer_lowered:
.L_overlay_start_2:
0xb3: {  	(tag) =	ssettag $0x2  }
0xb4: {  	s0 =	rddreg [dreg:$0x0];
	s2 =	stileid.u32  }
0xb5: {  	s1 =	rddreg [dreg:$0x1];
	p0 =	sne.s32 s2, $0x0  }
0xb6: {  	s3 =	rddreg [dreg:$0x2];
	[bflag:$0x3] =	sbarrier.arrive $0xFFFF;
	s2 =	simm.s32 @!p0 $0x1C01  }
0xb7: {  	[timem:s3], [sflag:s2] =	dma.local @!p0 [hbm:s0], s1  }
0xb8: {  	s0 =	simm.s32 @!p0 $0x1  }
0xb9: {  	_ =	swait.ge @!p0 [sflag:s0], s1  }
0xba: {  	s1 =	ssub.s32 @!p0 $0x0, s1;
	[sflag:s0] =	ssyncset.done @!p0 $0x0  }
0xbb: {  	[sflag:s0] =	ssyncadd.s32 @!p0 s1  }
0xbc: {  	[bflag:$0x3] =	sbarrier.arrive $0xFFFF  }
0xbd: {  	_ =	shalt  }

</sc_bundles>
